<compile_context>
chip_gen: v7x
topology: tpu7x:2x2x1
jax: 0.10.2.dev20260603
libtpu: 0.0.44.dev20260713+nightly
codegen_flags: <defaults>
</compile_context>

<pallas_src>
import functools

import jax
import jax.numpy as jnp
from jax import lax
from jax.experimental import pallas as pl
from jax.experimental.pallas import tpu as pltpu
from jax.experimental.pallas import tpu_sc as plsc

_VOCAB = 100000
_D = 300
_B = 1024
_MAX_NORM = 1.0

_NW = 32
_B_PER_W = _B // _NW

_TV = 2048


def _sc_gather(x, table):
    mesh = plsc.VectorSubcoreMesh(core_axis_name="c", subcore_axis_name="s")

    @functools.partial(
        pl.kernel,
        mesh=mesh,
        out_type=jax.ShapeDtypeStruct((_B, 384), jnp.float32),
        scratch_types=[
            pltpu.VMEM((_B_PER_W,), jnp.int32),
            pltpu.VMEM((_B_PER_W, 128), jnp.float32),
            pltpu.VMEM((_B_PER_W, 128), jnp.float32),
            pltpu.VMEM((_B_PER_W, 128), jnp.float32),
            pltpu.SemaphoreType.DMA,
        ],
    )
    def gather_kernel(idx_hbm, table_hbm, out_hbm, idx_v, c0, c1, c2, sem):
        cid = lax.axis_index("c")
        wid = lax.axis_index("s") * 2 + cid
        base = wid * _B_PER_W
        pltpu.sync_copy(idx_hbm.at[pl.ds(base, _B_PER_W)], idx_v)
        d0 = pltpu.async_copy(table_hbm.at[idx_v, pl.ds(0, 128)], c0, sem)
        d1 = pltpu.async_copy(table_hbm.at[idx_v, pl.ds(128, 128)], c1, sem)
        tail = pl.multiple_of(256 + (cid - cid) * 128, 128)
        d2 = pltpu.async_copy(table_hbm.at[idx_v, pl.ds(tail, 128)], c2, sem)
        d0.wait()
        d1.wait()
        d2.wait()
        rows = out_hbm.at[pl.ds(base, _B_PER_W)]
        pltpu.sync_copy(c0, rows.at[:, pl.ds(0, 128)])
        pltpu.sync_copy(c1, rows.at[:, pl.ds(128, 128)])
        pltpu.sync_copy(c2, rows.at[:, pl.ds(256, 128)])

    return gather_kernel(x, table)


def _tc_body(emb_ref, w_ref, b_ref, out_ref, es_ref):
    @pl.when(pl.program_id(0) == 0)
    def _():
        e = emb_ref[:, pl.ds(0, _D)]
        ss = jnp.sum(e * e, axis=1, keepdims=True)
        scale = jnp.where(ss > _MAX_NORM * _MAX_NORM, lax.rsqrt(ss), 1.0)
        es_ref[...] = (e * scale).astype(jnp.bfloat16)

    out_ref[...] = lax.dot_general(
        es_ref[...], w_ref[...].astype(jnp.bfloat16),
        dimension_numbers=(((1,), (1,)), ((), ())),
        preferred_element_type=jnp.float32,
    ) + b_ref[...]


def _tc_project(emb_raw, w, b2d):
    return pl.pallas_call(
        _tc_body,
        grid=(pl.cdiv(_VOCAB, _TV),),
        in_specs=[
            pl.BlockSpec((_B, 384), lambda i: (0, 0)),
            pl.BlockSpec((_TV, _D), lambda i: (i, 0)),
            pl.BlockSpec((1, _TV), lambda i: (0, i)),
        ],
        out_specs=pl.BlockSpec((_B, _TV), lambda i: (0, i)),
        out_shape=jax.ShapeDtypeStruct((_B, _VOCAB), jnp.float32),
        scratch_shapes=[pltpu.VMEM((_B, _D), jnp.bfloat16)],
    )(emb_raw, w, b2d)


def kernel(x, emb_table, W, b):
    emb_raw = _sc_gather(x, emb_table)
    return _tc_project(emb_raw, W, b.reshape(1, _VOCAB))

# --- scband reference (transcript-rebuilt; emitter-appended) ---
"""Pipeline reference for scband-skip-gram-model-83674552860907 (READ-ONLY COPY).

The authoritative reference and input builder live on the scoring server;
editing this copy changes nothing except your own understanding.
"""

import jax, jax.numpy as jnp
import numpy as np

VOCAB_SIZE = 100000
EMBED_DIMENSION = 300
EMBED_MAX_NORM = 1.0
BATCH = 1024


def setup_inputs(seed: int = 0) -> dict:
    key = jax.random.key(seed)
    k1, k2, k3 = jax.random.split(key, 3)
    x = jax.random.randint(k1, (BATCH,), 0, VOCAB_SIZE, dtype=jnp.int32)
    # nn.Embedding default init: N(0,1)
    emb_table = jax.random.normal(k2, (VOCAB_SIZE, EMBED_DIMENSION), dtype=jnp.float32)
    # nn.Linear default init: U(-1/sqrt(fan_in), 1/sqrt(fan_in))
    bound = 1.0 / np.sqrt(EMBED_DIMENSION)
    kw, kb = jax.random.split(k3)
    W = jax.random.uniform(kw, (VOCAB_SIZE, EMBED_DIMENSION), dtype=jnp.float32, minval=-bound, maxval=bound)
    b = jax.random.uniform(kb, (VOCAB_SIZE,), dtype=jnp.float32, minval=-bound, maxval=bound)
    return {"x": x, "emb_table": emb_table, "W": W, "b": b}


def _embedding_max_norm(table, idx, max_norm):
    # torch nn.Embedding(max_norm=...) renormalizes the looked-up rows whose
    # L2 norm exceeds max_norm, then gathers. Functionally: gather then clip.
    emb = jnp.take(table, idx, axis=0)
    norms = jnp.linalg.norm(emb, axis=-1, keepdims=True)
    scale = jnp.where(norms > max_norm, max_norm / jnp.maximum(norms, 1e-12), 1.0)
    return emb * scale


def reference(x, emb_table, W, b):
    emb = _embedding_max_norm(emb_table, x, EMBED_MAX_NORM)  # [B, 300]
    logits = emb @ W.T + b                                    # [B, vocab]
    return logits

if __name__ == "__main__":
    import jax
    _d = setup_inputs()
    print(jax.jit(kernel)(*tuple(_d.values())))

</pallas_src>

<mosaic_0001>
#map = affine_map<(d0, d1) -> (0)>
#map1 = affine_map<(d0, d1) -> (0, 0)>
module attributes {stable_mosaic.version = 14 : i64} {
  func.func @gather_kernel(%arg0: i32, %arg1: i32, %arg2: memref<1024xi32, #tpu.memory_space<hbm>>, %arg3: memref<100000x300xf32, #tpu.memory_space<hbm>>, %arg4: memref<1024x384xf32, #tpu.memory_space<hbm>>, %arg5: memref<32xi32, #tpu.memory_space<vmem>>, %arg6: memref<32x128xf32, #tpu.memory_space<vmem>>, %arg7: memref<32x128xf32, #tpu.memory_space<vmem>>, %arg8: memref<32x128xf32, #tpu.memory_space<vmem>>, %arg9: memref<!tpu.dma_semaphore, #tpu.memory_space<semaphore_mem>>) attributes {dimension_semantics = [#tpu.dimension_semantics<core_parallel>, #tpu.dimension_semantics<subcore_parallel>], iteration_bounds = array<i64: 2, 16>, scalar_prefetch = 0 : i64, scratch_operands = 5 : i64, tpu.core_type = #tpu.core_type<sc_vector_subcore>, window_params = [{transform_indices = #map}, {transform_indices = #map1}, {transform_indices = #map1}]} {
    %mul3A = arith.constant 2 : i32
    %mul3A_0 = arith.muli %arg1, %mul3A : i32
    %add3A = arith.addi %mul3A_0, %arg0 : i32
    %mul3A_1 = arith.constant 32 : i32
    %mul3A_2 = arith.muli %add3A, %mul3A_1 : i32
    "tpu.region"() ({
      %run_scoped3A = tpu.sem_alloc : memref<!tpu.dma_semaphore, #tpu.memory_space<semaphore_mem>>
      %dma_start3A_21 = tpu.memref_slice %arg2[%mul3A_2] : memref<1024xi32, #tpu.memory_space<hbm>> -> memref<32xi32, #tpu.memory_space<hbm>>
      %dma_start3A_22 = tpu.memref_slice %arg2[%mul3A_2] : memref<1024xi32, #tpu.memory_space<hbm>> -> memref<32xi32, #tpu.memory_space<hbm>>
      tpu.enqueue_dma source(%dma_start3A_22 : memref<32xi32, #tpu.memory_space<hbm>>) target(%arg5 : memref<32xi32, #tpu.memory_space<vmem>>) target_semaphore(%run_scoped3A : memref<!tpu.dma_semaphore, #tpu.memory_space<semaphore_mem>>)
      %dma_wait3A_23 = tpu.memref_slice %arg2[%mul3A_2] : memref<1024xi32, #tpu.memory_space<hbm>> -> memref<32xi32, #tpu.memory_space<hbm>>
      %dma_wait3A_24 = tpu.memref_slice %arg2[%mul3A_2] : memref<1024xi32, #tpu.memory_space<hbm>> -> memref<32xi32, #tpu.memory_space<hbm>>
      tpu.wait_dma2 semaphore(%run_scoped3A : memref<!tpu.dma_semaphore, #tpu.memory_space<semaphore_mem>>) src(%dma_wait3A_24 : memref<32xi32, #tpu.memory_space<hbm>>) dst(%arg5 : memref<32xi32, #tpu.memory_space<vmem>>)
      tpu.yield
    }) : () -> ()
    %dma_start3A = arith.constant 0 : i32
    %dma_start3A_3 = arith.constant 0 : i32
    %dma_start3A_4 = tpu.memref_slice %arg3[%dma_start3A, %dma_start3A_3] : memref<100000x300xf32, #tpu.memory_space<hbm>> -> memref<100000x128xf32, #tpu.memory_space<hbm>>
    tpu.enqueue_indirect_dma source(%dma_start3A_4 : memref<100000x128xf32, #tpu.memory_space<hbm>>) target(%arg6 : memref<32x128xf32, #tpu.memory_space<vmem>>) offsets(%arg5 : memref<32xi32, #tpu.memory_space<vmem>>) semaphore(%arg9 : memref<!tpu.dma_semaphore, #tpu.memory_space<semaphore_mem>>)
    %dma_start3A_5 = arith.constant 0 : i32
    %dma_start3A_6 = arith.constant 128 : i32
    %dma_start3A_7 = tpu.memref_slice %arg3[%dma_start3A_5, %dma_start3A_6] : memref<100000x300xf32, #tpu.memory_space<hbm>> -> memref<100000x128xf32, #tpu.memory_space<hbm>>
    tpu.enqueue_indirect_dma source(%dma_start3A_7 : memref<100000x128xf32, #tpu.memory_space<hbm>>) target(%arg7 : memref<32x128xf32, #tpu.memory_space<vmem>>) offsets(%arg5 : memref<32xi32, #tpu.memory_space<vmem>>) semaphore(%arg9 : memref<!tpu.dma_semaphore, #tpu.memory_space<semaphore_mem>>)
    %sub3A = arith.subi %arg0, %arg0 : i32
    %mul3A_8 = arith.constant 128 : i32
    %mul3A_9 = arith.muli %sub3A, %mul3A_8 : i32
    %add3A_10 = arith.constant 256 : i32
    %add3A_11 = arith.addi %add3A_10, %mul3A_9 : i32
    %multiple_of3A = tpu.assume_multiple %add3A_11, 128 : i32
    %dma_start3A_12 = arith.constant 0 : i32
    %dma_start3A_13 = tpu.memref_slice %arg3[%dma_start3A_12, %multiple_of3A] : memref<100000x300xf32, #tpu.memory_space<hbm>> -> memref<100000x128xf32, #tpu.memory_space<hbm>>
    tpu.enqueue_indirect_dma source(%dma_start3A_13 : memref<100000x128xf32, #tpu.memory_space<hbm>>) target(%arg8 : memref<32x128xf32, #tpu.memory_space<vmem>>) offsets(%arg5 : memref<32xi32, #tpu.memory_space<vmem>>) semaphore(%arg9 : memref<!tpu.dma_semaphore, #tpu.memory_space<semaphore_mem>>)
    %dma_wait3A = arith.constant 0 : i32
    %dma_wait3A_14 = arith.constant 0 : i32
    %dma_wait3A_15 = tpu.memref_slice %arg3[%dma_wait3A, %dma_wait3A_14] : memref<100000x300xf32, #tpu.memory_space<hbm>> -> memref<100000x128xf32, #tpu.memory_space<hbm>>
    tpu.wait_indirect_dma semaphore(%arg9 : memref<!tpu.dma_semaphore, #tpu.memory_space<semaphore_mem>>) src(%dma_wait3A_15 : memref<100000x128xf32, #tpu.memory_space<hbm>>) dst(%arg6 : memref<32x128xf32, #tpu.memory_space<vmem>>)
    %dma_wait3A_16 = arith.constant 0 : i32
    %dma_wait3A_17 = arith.constant 128 : i32
    %dma_wait3A_18 = tpu.memref_slice %arg3[%dma_wait3A_16, %dma_wait3A_17] : memref<100000x300xf32, #tpu.memory_space<hbm>> -> memref<100000x128xf32, #tpu.memory_space<hbm>>
    tpu.wait_indirect_dma semaphore(%arg9 : memref<!tpu.dma_semaphore, #tpu.memory_space<semaphore_mem>>) src(%dma_wait3A_18 : memref<100000x128xf32, #tpu.memory_space<hbm>>) dst(%arg7 : memref<32x128xf32, #tpu.memory_space<vmem>>)
    %dma_wait3A_19 = arith.constant 0 : i32
    %dma_wait3A_20 = tpu.memref_slice %arg3[%dma_wait3A_19, %multiple_of3A] : memref<100000x300xf32, #tpu.memory_space<hbm>> -> memref<100000x128xf32, #tpu.memory_space<hbm>>
    tpu.wait_indirect_dma semaphore(%arg9 : memref<!tpu.dma_semaphore, #tpu.memory_space<semaphore_mem>>) src(%dma_wait3A_20 : memref<100000x128xf32, #tpu.memory_space<hbm>>) dst(%arg8 : memref<32x128xf32, #tpu.memory_space<vmem>>)
    "tpu.region"() ({
      %run_scoped3A = tpu.sem_alloc : memref<!tpu.dma_semaphore, #tpu.memory_space<semaphore_mem>>
      %dma_start3A_21 = arith.constant 0 : i32
      %dma_start3A_22 = tpu.memref_slice %arg4[%mul3A_2, %dma_start3A_21] : memref<1024x384xf32, #tpu.memory_space<hbm>> -> memref<32x384xf32, #tpu.memory_space<hbm>>
      %dma_start3A_23 = arith.constant 0 : i32
      %dma_start3A_24 = arith.constant 0 : i32
      %dma_start3A_25 = tpu.memref_slice %dma_start3A_22[%dma_start3A_23, %dma_start3A_24] : memref<32x384xf32, #tpu.memory_space<hbm>> -> memref<32x128xf32, #tpu.memory_space<hbm>>
      %dma_start3A_26 = arith.constant 0 : i32
      %dma_start3A_27 = tpu.memref_slice %arg4[%mul3A_2, %dma_start3A_26] : memref<1024x384xf32, #tpu.memory_space<hbm>> -> memref<32x384xf32, #tpu.memory_space<hbm>>
      %dma_start3A_28 = arith.constant 0 : i32
      %dma_start3A_29 = arith.constant 0 : i32
      %dma_start3A_30 = tpu.memref_slice %dma_start3A_27[%dma_start3A_28, %dma_start3A_29] : memref<32x384xf32, #tpu.memory_space<hbm>> -> memref<32x128xf32, #tpu.memory_space<hbm>>
      tpu.enqueue_dma source(%arg6 : memref<32x128xf32, #tpu.memory_space<vmem>>) target(%dma_start3A_30 : memref<32x128xf32, #tpu.memory_space<hbm>>) target_semaphore(%run_scoped3A : memref<!tpu.dma_semaphore, #tpu.memory_space<semaphore_mem>>)
      %dma_wait3A_31 = arith.constant 0 : i32
      %dma_wait3A_32 = tpu.memref_slice %arg4[%mul3A_2, %dma_wait3A_31] : memref<1024x384xf32, #tpu.memory_space<hbm>> -> memref<32x384xf32, #tpu.memory_space<hbm>>
      %dma_wait3A_33 = arith.constant 0 : i32
      %dma_wait3A_34 = arith.constant 0 : i32
      %dma_wait3A_35 = tpu.memref_slice %dma_wait3A_32[%dma_wait3A_33, %dma_wait3A_34] : memref<32x384xf32, #tpu.memory_space<hbm>> -> memref<32x128xf32, #tpu.memory_space<hbm>>
      %dma_wait3A_36 = arith.constant 0 : i32
      %dma_wait3A_37 = tpu.memref_slice %arg4[%mul3A_2, %dma_wait3A_36] : memref<1024x384xf32, #tpu.memory_space<hbm>> -> memref<32x384xf32, #tpu.memory_space<hbm>>
      %dma_wait3A_38 = arith.constant 0 : i32
      %dma_wait3A_39 = arith.constant 0 : i32
      %dma_wait3A_40 = tpu.memref_slice %dma_wait3A_37[%dma_wait3A_38, %dma_wait3A_39] : memref<32x384xf32, #tpu.memory_space<hbm>> -> memref<32x128xf32, #tpu.memory_space<hbm>>
      tpu.wait_dma2 semaphore(%run_scoped3A : memref<!tpu.dma_semaphore, #tpu.memory_space<semaphore_mem>>) src(%arg6 : memref<32x128xf32, #tpu.memory_space<vmem>>) dst(%dma_wait3A_40 : memref<32x128xf32, #tpu.memory_space<hbm>>)
      tpu.yield
    }) : () -> ()
    "tpu.region"() ({
      %run_scoped3A = tpu.sem_alloc : memref<!tpu.dma_semaphore, #tpu.memory_space<semaphore_mem>>
      %dma_start3A_21 = arith.constant 0 : i32
      %dma_start3A_22 = tpu.memref_slice %arg4[%mul3A_2, %dma_start3A_21] : memref<1024x384xf32, #tpu.memory_space<hbm>> -> memref<32x384xf32, #tpu.memory_space<hbm>>
      %dma_start3A_23 = arith.constant 0 : i32
      %dma_start3A_24 = arith.constant 128 : i32
      %dma_start3A_25 = tpu.memref_slice %dma_start3A_22[%dma_start3A_23, %dma_start3A_24] : memref<32x384xf32, #tpu.memory_space<hbm>> -> memref<32x128xf32, #tpu.memory_space<hbm>>
      %dma_start3A_26 = arith.constant 0 : i32
      %dma_start3A_27 = tpu.memref_slice %arg4[%mul3A_2, %dma_start3A_26] : memref<1024x384xf32, #tpu.memory_space<hbm>> -> memref<32x384xf32, #tpu.memory_space<hbm>>
      %dma_start3A_28 = arith.constant 0 : i32
      %dma_start3A_29 = arith.constant 128 : i32
      %dma_start3A_30 = tpu.memref_slice %dma_start3A_27[%dma_start3A_28, %dma_start3A_29] : memref<32x384xf32, #tpu.memory_space<hbm>> -> memref<32x128xf32, #tpu.memory_space<hbm>>
      tpu.enqueue_dma source(%arg7 : memref<32x128xf32, #tpu.memory_space<vmem>>) target(%dma_start3A_30 : memref<32x128xf32, #tpu.memory_space<hbm>>) target_semaphore(%run_scoped3A : memref<!tpu.dma_semaphore, #tpu.memory_space<semaphore_mem>>)
      %dma_wait3A_31 = arith.constant 0 : i32
      %dma_wait3A_32 = tpu.memref_slice %arg4[%mul3A_2, %dma_wait3A_31] : memref<1024x384xf32, #tpu.memory_space<hbm>> -> memref<32x384xf32, #tpu.memory_space<hbm>>
      %dma_wait3A_33 = arith.constant 0 : i32
      %dma_wait3A_34 = arith.constant 128 : i32
      %dma_wait3A_35 = tpu.memref_slice %dma_wait3A_32[%dma_wait3A_33, %dma_wait3A_34] : memref<32x384xf32, #tpu.memory_space<hbm>> -> memref<32x128xf32, #tpu.memory_space<hbm>>
      %dma_wait3A_36 = arith.constant 0 : i32
      %dma_wait3A_37 = tpu.memref_slice %arg4[%mul3A_2, %dma_wait3A_36] : memref<1024x384xf32, #tpu.memory_space<hbm>> -> memref<32x384xf32, #tpu.memory_space<hbm>>
      %dma_wait3A_38 = arith.constant 0 : i32
      %dma_wait3A_39 = arith.constant 128 : i32
      %dma_wait3A_40 = tpu.memref_slice %dma_wait3A_37[%dma_wait3A_38, %dma_wait3A_39] : memref<32x384xf32, #tpu.memory_space<hbm>> -> memref<32x128xf32, #tpu.memory_space<hbm>>
      tpu.wait_dma2 semaphore(%run_scoped3A : memref<!tpu.dma_semaphore, #tpu.memory_space<semaphore_mem>>) src(%arg7 : memref<32x128xf32, #tpu.memory_space<vmem>>) dst(%dma_wait3A_40 : memref<32x128xf32, #tpu.memory_space<hbm>>)
      tpu.yield
    }) : () -> ()
    "tpu.region"() ({
      %run_scoped3A = tpu.sem_alloc : memref<!tpu.dma_semaphore, #tpu.memory_space<semaphore_mem>>
      %dma_start3A_21 = arith.constant 0 : i32
      %dma_start3A_22 = tpu.memref_slice %arg4[%mul3A_2, %dma_start3A_21] : memref<1024x384xf32, #tpu.memory_space<hbm>> -> memref<32x384xf32, #tpu.memory_space<hbm>>
      %dma_start3A_23 = arith.constant 0 : i32
      %dma_start3A_24 = arith.constant 256 : i32
      %dma_start3A_25 = tpu.memref_slice %dma_start3A_22[%dma_start3A_23, %dma_start3A_24] : memref<32x384xf32, #tpu.memory_space<hbm>> -> memref<32x128xf32, #tpu.memory_space<hbm>>
      %dma_start3A_26 = arith.constant 0 : i32
      %dma_start3A_27 = tpu.memref_slice %arg4[%mul3A_2, %dma_start3A_26] : memref<1024x384xf32, #tpu.memory_space<hbm>> -> memref<32x384xf32, #tpu.memory_space<hbm>>
      %dma_start3A_28 = arith.constant 0 : i32
      %dma_start3A_29 = arith.constant 256 : i32
      %dma_start3A_30 = tpu.memref_slice %dma_start3A_27[%dma_start3A_28, %dma_start3A_29] : memref<32x384xf32, #tpu.memory_space<hbm>> -> memref<32x128xf32, #tpu.memory_space<hbm>>
      tpu.enqueue_dma source(%arg8 : memref<32x128xf32, #tpu.memory_space<vmem>>) target(%dma_start3A_30 : memref<32x128xf32, #tpu.memory_space<hbm>>) target_semaphore(%run_scoped3A : memref<!tpu.dma_semaphore, #tpu.memory_space<semaphore_mem>>)
      %dma_wait3A_31 = arith.constant 0 : i32
      %dma_wait3A_32 = tpu.memref_slice %arg4[%mul3A_2, %dma_wait3A_31] : memref<1024x384xf32, #tpu.memory_space<hbm>> -> memref<32x384xf32, #tpu.memory_space<hbm>>
      %dma_wait3A_33 = arith.constant 0 : i32
      %dma_wait3A_34 = arith.constant 256 : i32
      %dma_wait3A_35 = tpu.memref_slice %dma_wait3A_32[%dma_wait3A_33, %dma_wait3A_34] : memref<32x384xf32, #tpu.memory_space<hbm>> -> memref<32x128xf32, #tpu.memory_space<hbm>>
      %dma_wait3A_36 = arith.constant 0 : i32
      %dma_wait3A_37 = tpu.memref_slice %arg4[%mul3A_2, %dma_wait3A_36] : memref<1024x384xf32, #tpu.memory_space<hbm>> -> memref<32x384xf32, #tpu.memory_space<hbm>>
      %dma_wait3A_38 = arith.constant 0 : i32
      %dma_wait3A_39 = arith.constant 256 : i32
      %dma_wait3A_40 = tpu.memref_slice %dma_wait3A_37[%dma_wait3A_38, %dma_wait3A_39] : memref<32x384xf32, #tpu.memory_space<hbm>> -> memref<32x128xf32, #tpu.memory_space<hbm>>
      tpu.wait_dma2 semaphore(%run_scoped3A : memref<!tpu.dma_semaphore, #tpu.memory_space<semaphore_mem>>) src(%arg8 : memref<32x128xf32, #tpu.memory_space<vmem>>) dst(%dma_wait3A_40 : memref<32x128xf32, #tpu.memory_space<hbm>>)
      tpu.yield
    }) : () -> ()
    return
  }
}

module attributes {stable_mosaic.version = 14 : i64} {
  func.func @_tc_body(%arg0: i32, %arg1: memref<1024x384xf32, #tpu.memory_space<vmem>>, %arg2: memref<2048x300xf32, #tpu.memory_space<vmem>>, %arg3: memref<1x2048xf32, #tpu.memory_space<vmem>>, %arg4: memref<1024x2048xf32, #tpu.memory_space<vmem>>, %arg5: memref<1024x300xbf16, #tpu.memory_space<vmem>>) attributes {dimension_semantics = [#tpu.dimension_semantics<arbitrary>], iteration_bounds = array<i64: 49>, scalar_prefetch = 0 : i64, scratch_operands = 1 : i64, tpu.core_type = #tpu.core_type<tc>, window_params = [{pipeline_mode = #tpu.pipeline_mode<synchronous>, transform_indices = @transform_0, window_bounds = array<i64: 1024, 384>}, {transform_indices = @transform_1, window_bounds = array<i64: 2048, 300>}, {transform_indices = @transform_2, window_bounds = array<i64: 1, 2048>}, {transform_indices = @transform_3, window_bounds = array<i64: 1024, 2048>}]} {
    %eq3A = arith.constant 0 : i32
    %eq3A_0 = arith.cmpi eq, %arg0, %eq3A : i32
    %convert_element_type3A = arith.extui %eq3A_0 : i1 to i32
    %cond3A = arith.constant 0 : i32
    %cond3A_1 = arith.cmpi ne, %convert_element_type3A, %cond3A : i32
    scf.if %cond3A_1 {
      %get3A_15 = arith.constant 0 : index
      %get3A_16 = arith.constant 0 : index
      %get3A_17 = vector.load %arg1[%get3A_15, %get3A_16] : memref<1024x384xf32, #tpu.memory_space<vmem>>, vector<1024x300xf32>
      %mul3A = arith.mulf %get3A_17, %get3A_17 : vector<1024x300xf32>
      %reduce_sum3A = arith.constant dense<0.000000e+00> : vector<1024xf32>
      %reduce_sum3A_18 = vector.multi_reduction <add>, %mul3A, %reduce_sum3A [1] : vector<1024x300xf32> to vector<1024xf32>
      %broadcast_in_dim3A = vector.shape_cast %reduce_sum3A_18 : vector<1024xf32> to vector<1024x1xf32>
      %gt3A = arith.constant 1.000000e+00 : f32
      %gt3A_19 = vector.broadcast %gt3A : f32 to vector<1024x1xf32>
      %gt3A_20 = arith.cmpf ogt, %broadcast_in_dim3A, %gt3A_19 : vector<1024x1xf32>
      %rsqrt3A = math.rsqrt %broadcast_in_dim3A : vector<1024x1xf32>
      %jit3A = arith.constant 1.000000e+00 : f32
      %broadcast_in_dim3A_21 = vector.broadcast %jit3A : f32 to vector<1024x1xf32>
      %select_n3A = arith.select %gt3A_20, %rsqrt3A, %broadcast_in_dim3A_21 : vector<1024x1xi1>, vector<1024x1xf32>
      %mul3A_22 = vector.broadcast %select_n3A : vector<1024x1xf32> to vector<1024x300xf32>
      %mul3A_23 = arith.mulf %get3A_17, %mul3A_22 : vector<1024x300xf32>
      %convert_element_type3A_24 = arith.truncf %mul3A_23 : vector<1024x300xf32> to vector<1024x300xbf16>
      %swap3A_25 = arith.constant 0 : index
      %swap3A_26 = arith.constant 0 : index
      %swap3A_27 = vector.load %arg5[%swap3A_25, %swap3A_26] : memref<1024x300xbf16, #tpu.memory_space<vmem>>, vector<1024x300xbf16>
      tpu.vector_store %arg5[%swap3A_25, %swap3A_26], %convert_element_type3A_24 {strides = array<i32>} : memref<1024x300xbf16, #tpu.memory_space<vmem>>, vector<1024x300xbf16>,
    } else {
    }
    %get3A = arith.constant 0 : index
    %get3A_2 = arith.constant 0 : index
    %get3A_3 = vector.load %arg5[%get3A, %get3A_2] : memref<1024x300xbf16, #tpu.memory_space<vmem>>, vector<1024x300xbf16>
    %get3A_4 = arith.constant 0 : index
    %get3A_5 = arith.constant 0 : index
    %get3A_6 = vector.load %arg2[%get3A_4, %get3A_5] : memref<2048x300xf32, #tpu.memory_space<vmem>>, vector<2048x300xf32>
    %convert_element_type3A_7 = arith.truncf %get3A_6 : vector<2048x300xf32> to vector<2048x300xbf16>
    %dot_general3A = arith.constant dense<0.000000e+00> : vector<1024x2048xf32>
    %dot_general3A_8 = tpu.matmul %get3A_3, %convert_element_type3A_7, %dot_general3A {dimension_numbers = #tpu.dot_dimension_numbers<[1], [1], [0], [0], [0, 0, 1, 0], [], []>, transpose_lhs_hint = false} : vector<1024x300xbf16>, vector<2048x300xbf16>, vector<1024x2048xf32> -> vector<1024x2048xf32>
    %get3A_9 = arith.constant 0 : index
    %get3A_10 = arith.constant 0 : index
    %get3A_11 = vector.load %arg3[%get3A_9, %get3A_10] : memref<1x2048xf32, #tpu.memory_space<vmem>>, vector<1x2048xf32>
    %add3A = vector.broadcast %get3A_11 : vector<1x2048xf32> to vector<1024x2048xf32>
    %add3A_12 = arith.addf %dot_general3A_8, %add3A : vector<1024x2048xf32>
    %swap3A = arith.constant 0 : index
    %swap3A_13 = arith.constant 0 : index
    %swap3A_14 = vector.load %arg4[%swap3A, %swap3A_13] : memref<1024x2048xf32, #tpu.memory_space<vmem>>, vector<1024x2048xf32>
    tpu.vector_store %arg4[%swap3A, %swap3A_13], %add3A_12 {strides = array<i32>} : memref<1024x2048xf32, #tpu.memory_space<vmem>>, vector<1024x2048xf32>,
    return
  }
  func.func @transform_0(%arg0: i32) -> (i32, i32) {
    %c0_i32 = arith.constant 0 : i32
    %c0_i32_0 = arith.constant 0 : i32
    %c0_i32_1 = arith.constant 0 : i32
    return %c0_i32, %c0_i32_0 : i32, i32
  }
  func.func @transform_1(%arg0: i32) -> (i32, i32) {
    %c0_i32 = arith.constant 0 : i32
    %c0_i32_0 = arith.constant 0 : i32
    return %arg0, %c0_i32 : i32, i32
  }
  func.func @transform_2(%arg0: i32) -> (i32, i32) {
    %c0_i32 = arith.constant 0 : i32
    %c0_i32_0 = arith.constant 0 : i32
    return %c0_i32, %arg0 : i32, i32
  }
  func.func @transform_3(%arg0: i32) -> (i32, i32) {
    %c0_i32 = arith.constant 0 : i32
    %c0_i32_0 = arith.constant 0 : i32
    return %c0_i32, %arg0 : i32, i32
  }
}

</mosaic_0001>

<sc_bundles>
// kernel: kernel.4.cloned.1.call-start
scs
__scs_entry_jumppad:
0x0: {  	(pc) =	sbr.rel $0x88, $3  }
0x1: {  	(tag) =	ssettag $0x0;
	lr =	simm.s32 $0x1  }
0x2: {  	[smem:$0x3F9D] =	sst lr;
	_ =	strace $0xD0000000  }
0x3: {  	_ = 	snop  }
0x4: {  	_ = 	snop  }
0x5: {  	_ = 	snop  }
0x6: {  	_ = 	snop  }
0x7: {  	_ = 	snop  }
__scs_overlays_trampoline_lowered:
0x8: {  	[smem:$0x3FAC] =	sst s0  }
0x9: {  	[smem:$0x3FAD] =	sst s1  }
0xa: {  	[smem:$0x3FAE] =	sst s2  }
0xb: {  	[smem:$0x3FAF] =	sst s3  }
0xc: {  	[smem:$0x3FB0] =	sst s4  }
0xd: {  	[smem:$0x3FB1] =	sst s5  }
0xe: {  	[smem:$0x3FB2] =	sst s6  }
0xf: {  	[smem:$0x3FB3] =	sst s7  }
0x10: {  	[smem:$0x3FB4] =	sst s8  }
0x11: {  	[smem:$0x3FB5] =	sst s9;
	s0 =	simm.s32 @!p0 $0x0  }
0x12: {  	s1 =	sld [smem:$0x3F9B];
	s0 =	simm.s32 @p0 $0x1  }
0x13: {  	[smem:$0x3FB6] =	sst s0;
	s0 =	simm.s32 @!p1 $0x0  }
0x14: {  	s2 =	sld [smem:$0x3F9A];
	s0 =	simm.s32 @p1 $0x1  }
0x15: {  	[smem:$0x3FB7] =	sst s0;
	s0 =	simm.s32 @!p2 $0x0  }
0x16: {  	s3 =	sld [smem:$0x3FDB];
	s0 =	simm.s32 @p2 $0x1  }
0x17: {  	s4 =	simm.s32 $0x1BF5;
	[smem:$0x3FB9] =	sst s0  }
0x18: {  	s0 =	sld [smem:$0x3F9C];
	_ =	swait.ge [sflag:s4], $0x0  }
0x19: {  	s7 =	sld [smem:$0x3F9D]  }
0x1a: {  	s8 =	sadd.s32 $0xFFFFE003, lr  }
0x1b: {  	s9 =	sadd.s32 $0xFFFFFEF7, lr;
	s5 =	simm.s32 $0xFFFFFFFF;
	p2 =	slt.u32 s8, $0xFFFFF086  }
0x1c: {  	p1 =	slt.u32 s9, $0xF7A;
	s5 =	simm.s32 @!p2 $0x0  }
0x1d: {  	s5 =	simm.s32 @p1 $0x1;
	p0 =	seq.s32 s7, s2  }
0x1e: {  	s7 =	smul.u32 @!p0 $0xF7A, s2;
	p2 =	seq.s32 @!p0 s5, $0x0  }
0x1f: {  	s9 =	smul.u32 $0xF7A, s1;
	s8 =	simm.s32 @!p0 $0x1BF5;
	p2 =	por !p2, p0  }
0x20: {  	[sflag:s8] =	ssyncset.s32 @!p0 $0xFFFFF086;
	s6 =	sadd.s32 @!p0 s3, s7;
	s7 =	simm.s32 @!p0 $0x108  }
0x21: {  	s3 =	sadd.s32 s3, s9;
	s6 =	sadd.s32 @!p0 $0x88, s6;
	s7 =	simm.s32 @p2 $0x1082  }
0x22: {  	[simem:s7], [sflag:s8] =	dma.local @!p0 [hbm:s6], $0xF7A  }
0x23: {  	s9 =	sor.u32 $0xD0000000, s2;
	s6 =	simm.s32 $0x108;
	_ =	swait.ge @!p0 [sflag:s8], $0x0  }
0x24: {  	s3 =	sadd.s32 $0x88, s3;
	s6 =	simm.s32 @!p1 $0x1082;
	[sflag:s4] =	ssyncset.s32 $0xFFFFF086  }
0x25: {  	[simem:s6], [sflag:s4] =	dma.local [hbm:s3], $0xF7A  }
0x26: {  	[smem:$0x3F9D] =	sst s1;
	(tag) =	ssettag s2;
	_ =	strace s9  }
0x27: {  	s1 =	sld [smem:$0x3FAD]  }
0x28: {  	s2 =	sld [smem:$0x3FAE]  }
0x29: {  	s4 =	sld [smem:$0x3FB0]  }
0x2a: {  	p0 =	seq.s32 s5, $0x0;
	s5 =	sld [smem:$0x3FB1]  }
0x2b: {  	s6 =	sld [smem:$0x3FB2]  }
0x2c: {  	s7 =	sld [smem:$0x3FB3]  }
0x2d: {  	s3 =	simm.s32 $0x108;
	s8 =	sld [smem:$0x3FB4]  }
0x2e: {  	s3 =	simm.s32 @!p0 $0x1082;
	s9 =	sld [smem:$0x3FB5]  }
0x2f: {  	lr =	sadd.s32 s0, s3;
	s0 =	sld [smem:$0x3FAC]  }
0x30: {  	s3 =	sld [smem:$0x3FAF]  }
0x31: {  	[smem:$0x3FB8] =	sst s10  }
0x32: {  	s10 =	sld [smem:$0x3FB6];
	_ =	sdelay $0x3  }
0x33: {  	p0 =	seq.s32 s10, $0x1;
	s10 =	sld [smem:$0x3FB8];
	_ =	sdelay $0x3  }
0x34: {  	[smem:$0x3FB8] =	sst s10  }
0x35: {  	s10 =	sld [smem:$0x3FB7];
	_ =	sdelay $0x3  }
0x36: {  	p1 =	seq.s32 s10, $0x1;
	s10 =	sld [smem:$0x3FB8];
	_ =	sdelay $0x3  }
0x37: {  	[smem:$0x3FB8] =	sst s10  }
0x38: {  	s10 =	sld [smem:$0x3FB9]  }
0x39: {  	_ = 	snop;
	(pc) =	sbr.ind lr, $3  }
0x3a: {  	_ = 	snop  }
0x3b: {  	_ = 	snop  }
0x3c: {  	p2 =	seq.s32 s10, $0x1;
	s10 =	sld [smem:$0x3FB8]  }
0x3d: {  	_ =	shalt  }
0x3e: {  	_ =	shalt  }
0x3f: {  	_ =	shalt  }
0x40: {  	_ =	shalt  }
0x41: {  	_ =	shalt  }
0x42: {  	_ =	shalt  }
0x43: {  	_ =	shalt  }
0x44: {  	_ =	shalt  }
0x45: {  	_ =	shalt  }
0x46: {  	_ =	shalt  }
0x47: {  	_ =	shalt  }
0x48: {  	_ =	shalt  }
0x49: {  	_ =	shalt  }
0x4a: {  	_ =	shalt  }
0x4b: {  	_ =	shalt  }
0x4c: {  	_ =	shalt  }
0x4d: {  	_ =	shalt  }
0x4e: {  	_ =	shalt  }
0x4f: {  	_ =	shalt  }
0x50: {  	_ =	shalt  }
0x51: {  	_ =	shalt  }
0x52: {  	_ =	shalt  }
0x53: {  	_ =	shalt  }
0x54: {  	_ =	shalt  }
0x55: {  	_ =	shalt  }
0x56: {  	_ =	shalt  }
0x57: {  	_ =	shalt  }
0x58: {  	_ =	shalt  }
0x59: {  	_ =	shalt  }
0x5a: {  	_ =	shalt  }
0x5b: {  	_ =	shalt  }
0x5c: {  	_ =	shalt  }
0x5d: {  	_ =	shalt  }
0x5e: {  	_ =	shalt  }
0x5f: {  	_ =	shalt  }
0x60: {  	_ =	shalt  }
0x61: {  	_ =	shalt  }
0x62: {  	_ =	shalt  }
0x63: {  	_ =	shalt  }
0x64: {  	_ =	shalt  }
0x65: {  	_ =	shalt  }
0x66: {  	_ =	shalt  }
0x67: {  	_ =	shalt  }
0x68: {  	_ =	shalt  }
0x69: {  	_ =	shalt  }
0x6a: {  	_ =	shalt  }
0x6b: {  	_ =	shalt  }
0x6c: {  	_ =	shalt  }
0x6d: {  	_ =	shalt  }
0x6e: {  	_ =	shalt  }
0x6f: {  	_ =	shalt  }
0x70: {  	_ =	shalt  }
0x71: {  	_ =	shalt  }
0x72: {  	_ =	shalt  }
0x73: {  	_ =	shalt  }
0x74: {  	_ =	shalt  }
0x75: {  	_ =	shalt  }
0x76: {  	_ =	shalt  }
0x77: {  	_ =	shalt  }
0x78: {  	_ =	shalt  }
0x79: {  	_ =	shalt  }
0x7a: {  	_ =	shalt  }
0x7b: {  	_ =	shalt  }
0x7c: {  	_ =	shalt  }
0x7d: {  	_ =	shalt  }
0x7e: {  	_ =	shalt  }
0x7f: {  	_ =	shalt  }
0x80: {  	_ =	shalt  }
0x81: {  	_ =	shalt  }
0x82: {  	_ =	shalt  }
0x83: {  	_ =	shalt  }
0x84: {  	_ =	shalt  }
0x85: {  	_ =	shalt  }
0x86: {  	_ =	shalt  }
0x87: {  	_ =	shalt  }
.Lfunc_end0:
.L_simem_size_0:
called_computation_lowered:
.L_overlay_start_0:
0x88: {  	s2 =	sld [smem:$0x3FD9]  }
0x89: {  	s3 =	sld [smem:$0x3FFE];
	_ =	sdelay $0x1  }
0x8a: {  	s1 =	srdreg.scid  }
0x8b: {  	s0 =	sand.u32 $0x1, s1  }
0x8c: {  	s17 =	sshll.u32 s0, $0xA;
	s2 =	sadd.s32 s3, s2  }
0x8d: {  	s2 =	sadd.s32 s2, s17  }
0x8e: {  	[smem:$0x3FC4] =	sst s2  }
0x8f: {  	_ = 	snop  }
0x90: {  	s2 =	sld [smem:$0x3FC9]  }
0x91: {  	s18 =	sld [smem:$0x3FD0];
	(tm) =	ssettm $0x1  }
0x92: {  	s4 =	sld [smem:$0x3FFB];
	_ =	sdelay $0x3  }
0x93: {  	_ =	strace s4  }
0x94: {  	s4 =	sld [smem:$0x3FFC];
	_ =	sdelay $0x3  }
0x95: {  	_ =	strace s4  }
0x96: {  	s4 =	sld [smem:$0x3FFD];
	_ =	sdelay $0x3  }
0x97: {  	_ =	strace s4  }
0x98: {  	_ =	strace $0x8FFFFFFF  }
0x99: {  	s19 =	sld [smem:$0x3FDB];
	_ =	sdelay $0x1  }
0x9a: {  	s5 =	simm.s32 $_scs_section_size  }
0x9b: {  	s6 =	simm.s32 $_size__tile_overlayer_lowered;
	s7 =	simm.s32 $_tile_overlayer_lowered  }
0x9c: {  	s22 =	simm.s32 $0x1BFF;
	s21 =	sshll.u32 s7, $0x1;
	s4 =	sadd.s32 s5, s19  }
0x9d: {  	s8 =	simm.s32 $0x0;
	s20 =	sshll.u32 s6, $0x1;
	s6 =	sadd.s32 s21, s4  }
0x9e: {  	[timem:s8], [sflag:s22] =	dma.local [hbm:s6], s20  }
0x9f: {  	_ =	swait.ge [sflag:s22], s20  }
0xa0: {  	s5 =	ssub.s32 $0x0, s20;
	[sflag:s22] =	ssyncset.done $0x0  }
0xa1: {  	[sflag:s22] =	ssyncadd.s32 s5;
	_ =	sdelay $0x1  }
0xa2: {  	s23 =	simm.s32 $0x1B8B  }
0xa3: {  	_ =	swait.ge [sflag:s23], $0x1  }
0xa4: {  	[sflag:s23] =	ssyncset.done $0x0  }
0xa5: {  	s25 =	simm.s32 $0x1B8E;
	s24 =	sld [smem:$0x3FFE];
	[sflag:s23] =	ssyncadd.s32 $0xFFFFFFFF  }
0xa6: {  	s26 =	simm.s32 $execute0_lowered;
	[smem:$0x3FD2] =	sst s25  }
0xa7: {  	s6 =	sshll.u32 s26, $0x1;
	_ =	strace $0x80000046;
	[dreg:$0x1] =	wrdreg $0xFFFFFFFF  }
0xa8: {  	s28 =	simm.s32 $_size_execute0_lowered;
	s4 =	sadd.s32 s4, s6;
	[dreg:$0x0] =	wrdreg $0x0  }
0xa9: {  	s6 =	sshll.u32 s28, $0x1;
	[dreg:$0x2] =	wrdreg s4  }
0xaa: {  	[dreg:$0x3] =	wrdreg s6  }
0xab: {  	[dreg:$0x4] =	wrdreg $0xC0  }
0xac: {  	_ =	task [dreg:s8], $0x5FFFF  }
0xad: {  	[dreg:$0x1] =	wrdreg $0xFFFFFFFF  }
0xae: {  	[dreg:$0x0] =	wrdreg $0x60  }
0xaf: {  	[dreg:$0x2] =	wrdreg s2  }
0xb0: {  	[dreg:$0x3] =	wrdreg s18  }
0xb1: {  	[dreg:$0x4] =	wrdreg s24  }
0xb2: {  	[dreg:$0x5] =	wrdreg $0x9  }
0xb3: {  	_ =	task.clear_ibuf [dreg:s8], $0x6FFFF;
	_ =	strace $0x90000046  }
0xb4: {  	s29 =	simm.s32 $0x9;
	_ =	strace $0x80000048  }
0xb5: {  	_ =	swait.ge [sflag:s29], $0x1  }
0xb6: {  	[sflag:s29] =	ssyncadd.s32 $0xFFFFFFFF  }
0xb7: {  	_ =	strace $0x90000048  }
0xb8: {  	_ =	sfence  }
0xb9: {  	s30 =	sld [smem:$0x0];
	_ =	sdelay $0x2  }
0xba: {  	s31 =	sshll.u32 s1, $0xD;
	s1 =	sshrl.u32 s1, $0x2  }
0xbb: {  	s3 =	sand.u32 $0x4000, s31;
	s1 =	sadd.s32 s1, s30  }
0xbc: {  	s0 =	sor.u32 s3, s0;
	s1 =	sshll.u32 s1, $0x11  }
0xbd: {  	s0 =	sor.u32 s1, s0  }
0xbe: {  	s0 =	sadd.s32 $0x8F2B, s0  }
0xbf: {  	[sflag:s0] =	ssyncadd.remote.s32 $0x1  }
0xc0: {  	_ =	sfence.sel $0xFFFF  }
0xc1: {  	[dreg:$0x0] =	wrdreg $0xFFFFFFFF;
	(pc) =	sbr.abs _section_cstart, $3  }
0xc2: {  	[dreg:$0x1] =	wrdreg $0xFFFFFFFF  }
0xc3: {  	_ =	task.clear_ibuf [dreg:s8], $0x2FFFF;
	_ =	strace $0x9FFFFFFF  }
0xc4: {  	(tm) =	ssettm $0x7FFFFFFF  }
0xc5: {  	_ =	shalt  }
tec
execute0_lowered:
.L_overlay_start_1:
0x0: {  	(tag) =	ssettag $0x1  }
0x1: {  	s7 =	rddreg [dreg:$0x0]  }
0x2: {  	s2 =	rddreg [dreg:$0x1];
	s3 =	srdreg.scid  }
0x3: {  	s4 =	rddreg [dreg:$0x2];
	s5 =	sand.u32 $0x1, s3;
	s3 =	simm.s32 $0x0  }
0x4: {  	s20 =	simm.s32 $0x100;
	[smem:$0x7FF] =	sst s3  }
0x5: {  	s21 =	simm.s32 $0x180;
	_ =	strace $0x80000047;
	[dreg:$0x5] =	wrdreg s20  }
0x6: {  	s22 =	simm.s32 $0x200;
	[dreg:$0x6] =	wrdreg s21  }
0x7: {  	s23 =	simm.s32 $0x280;
	[dreg:$0x7] =	wrdreg s22  }
0x8: {  	s24 =	simm.s32 $0x300;
	[dreg:$0x8] =	wrdreg s23  }
0x9: {  	s25 =	simm.s32 $0x380;
	[dreg:$0x9] =	wrdreg s24  }
0xa: {  	s26 =	simm.s32 $0x480;
	[dreg:$0xa] =	wrdreg s25  }
0xb: {  	s31 =	simm.s32 $0x500;
	[dreg:$0xb] =	wrdreg s26  }
0xc: {  	s0 =	simm.s32 $0x580;
	[dreg:$0xc] =	wrdreg s31  }
0xd: {  	s9 =	simm.s32 $0x680;
	[dreg:$0xd] =	wrdreg s0  }
0xe: {  	s10 =	simm.s32 $0x700;
	[dreg:$0xf] =	wrdreg s9  }
0xf: {  	s11 =	simm.s32 $0x780;
	[dreg:$0x10] =	wrdreg s10  }
0x10: {  	s12 =	simm.s32 $0x800;
	[dreg:$0x11] =	wrdreg s11  }
0x11: {  	s13 =	simm.s32 $0x880;
	[dreg:$0x12] =	wrdreg s12  }
0x12: {  	s14 =	simm.s32 $0x900;
	[dreg:$0x13] =	wrdreg s13  }
0x13: {  	s15 =	simm.s32 $0x980;
	[dreg:$0x14] =	wrdreg s14  }
0x14: {  	s16 =	simm.s32 $0xA00;
	[dreg:$0x15] =	wrdreg s15  }
0x15: {  	s1 =	stileid.u32;
	s17 =	simm.s32 $0xA80;
	[dreg:$0x16] =	wrdreg s16  }
0x16: {  	s18 =	simm.s32 $0xB00;
	s19 =	simm.s32 $0xB80;
	[dreg:$0x17] =	wrdreg s17  }
0x17: {  	s6 =	sshll.u32 s1, $0x3;
	s8 =	sshll.u32 s5, $0x2;
	[dreg:$0x18] =	wrdreg s18  }
0x18: {  	s6 =	sor.u32 s8, s6;
	s8 =	simm.s32 $0x600;
	[dreg:$0x19] =	wrdreg s19  }
0x19: {  	s20 =	simm.s32 $0xC80;
	[dreg:$0xe] =	wrdreg s8  }
0x1a: {  	s21 =	simm.s32 $0xD00;
	[dreg:$0x1a] =	wrdreg s20  }
0x1b: {  	s22 =	simm.s32 $0xD80;
	[dreg:$0x1b] =	wrdreg s21  }
0x1c: {  	s23 =	simm.s32 $0xE00;
	[dreg:$0x1c] =	wrdreg s22  }
0x1d: {  	s24 =	simm.s32 $0xE80;
	[dreg:$0x1d] =	wrdreg s23  }
0x1e: {  	s25 =	simm.s32 $0xF00;
	[dreg:$0x1e] =	wrdreg s24  }
0x1f: {  	s26 =	simm.s32 $0xF80;
	[dreg:$0x1f] =	wrdreg s25  }
0x20: {  	s31 =	simm.s32 $0x1000;
	[smem:$0x7CD] =	sst s26  }
0x21: {  	s0 =	simm.s32 $0x1100;
	[smem:$0x7CE] =	sst s31  }
0x22: {  	s9 =	simm.s32 $0x1200;
	[smem:$0x7CF] =	sst s0  }
0x23: {  	s10 =	simm.s32 $0x1280;
	[smem:$0x7D1] =	sst s9  }
0x24: {  	s11 =	simm.s32 $0x1300;
	[smem:$0x7D2] =	sst s10  }
0x25: {  	s12 =	simm.s32 $0x1380;
	[smem:$0x7D3] =	sst s11  }
0x26: {  	s13 =	simm.s32 $0x1400;
	[smem:$0x7D4] =	sst s12  }
0x27: {  	s14 =	simm.s32 $0x1480;
	[smem:$0x7D5] =	sst s13  }
0x28: {  	s15 =	simm.s32 $0x1500;
	[smem:$0x7D6] =	sst s14  }
0x29: {  	s16 =	simm.s32 $0x1580;
	[smem:$0x7D7] =	sst s15  }
0x2a: {  	s17 =	simm.s32 $0x1600;
	[smem:$0x7D8] =	sst s16  }
0x2b: {  	s18 =	simm.s32 $0x1680;
	[smem:$0x7D9] =	sst s17  }
0x2c: {  	s19 =	simm.s32 $0x1700;
	[smem:$0x7DA] =	sst s18  }
0x2d: {  	s7 =	sadd.s32 s7, s6;
	[smem:$0x7DB] =	sst s19  }
0x2e: {  	s8 =	simm.s32 $0x1180;
	[dreg:$0x4] =	wrdreg s7  }
0x2f: {  	s20 =	simm.s32 $0x1780;
	[smem:$0x7D0] =	sst s8  }
0x30: {  	s21 =	simm.s32 $0x1800;
	[smem:$0x7DC] =	sst s20  }
0x31: {  	s22 =	simm.s32 $0x1880;
	[smem:$0x7DD] =	sst s21  }
0x32: {  	s23 =	simm.s32 $0x1900;
	[smem:$0x7DE] =	sst s22  }
0x33: {  	s24 =	simm.s32 $0x1980;
	[smem:$0x7DF] =	sst s23  }
0x34: {  	s25 =	simm.s32 $0x1A00;
	[smem:$0x7E0] =	sst s24  }
0x35: {  	s26 =	simm.s32 $0x1A80;
	[smem:$0x7E1] =	sst s25  }
0x36: {  	s31 =	simm.s32 $0x1B00;
	[smem:$0x7E2] =	sst s26  }
0x37: {  	s0 =	simm.s32 $0x1B80;
	[smem:$0x7E3] =	sst s31  }
0x38: {  	s9 =	simm.s32 $0x1C80;
	[smem:$0x7E4] =	sst s0  }
0x39: {  	s10 =	simm.s32 $0x1D00;
	[smem:$0x7E6] =	sst s9  }
0x3a: {  	s11 =	simm.s32 $0x1D80;
	[smem:$0x7E7] =	sst s10  }
0x3b: {  	s12 =	simm.s32 $0x1E00;
	[smem:$0x7E8] =	sst s11  }
0x3c: {  	s13 =	simm.s32 $0x1E80;
	[smem:$0x7E9] =	sst s12  }
0x3d: {  	s28 =	simm.s32 $0x2F80;
	s14 =	simm.s32 $0x1F00;
	[smem:$0x7EA] =	sst s13  }
0x3e: {  	s29 =	simm.s32 $0x3000;
	s15 =	simm.s32 $0x1F80;
	[smem:$0x7EB] =	sst s14  }
0x3f: {  	s30 =	simm.s32 $0x1;
	s16 =	simm.s32 $0x2000;
	[smem:$0x7EC] =	sst s15  }
0x40: {  	s5 =	ssub.s32 $0x2, s5;
	s17 =	simm.s32 $0x2100;
	[smem:$0x7ED] =	sst s16  }
0x41: {  	s6 =	smul.u32 $0x180, s6;
	s18 =	simm.s32 $0x2180;
	[smem:$0x7EE] =	sst s17  }
0x42: {  	s19 =	simm.s32 $0x2200;
	s8 =	simm.s32 $0x1C00;
	[smem:$0x7EF] =	sst s18  }
0x43: {  	[smem:$0x7F0] =	sst s19;
	s20 =	simm.s32 $0x2280;
	s21 =	simm.s32 $0x2300  }
0x44: {  	s22 =	sshrl.u32 s5, $0x1;
	s23 =	simm.s32 $0x2380;
	[smem:$0x7E5] =	sst s8  }
0x45: {  	s24 =	simm.s32 $0x2400;
	s25 =	simm.s32 $0x2480;
	[smem:$0x7F1] =	sst s20  }
0x46: {  	s26 =	simm.s32 $0x2500;
	s31 =	simm.s32 $0x2580;
	[smem:$0x7F2] =	sst s21  }
0x47: {  	s9 =	simm.s32 $0x2600;
	s10 =	simm.s32 $0x2680;
	[smem:$0x7F3] =	sst s23  }
0x48: {  	s11 =	simm.s32 $0x2700;
	s12 =	simm.s32 $0x2780;
	[smem:$0x7F4] =	sst s24  }
0x49: {  	s13 =	simm.s32 $0x2800;
	s14 =	simm.s32 $0x2880;
	[smem:$0x7F5] =	sst s25  }
0x4a: {  	s15 =	simm.s32 $0x2980;
	s16 =	simm.s32 $0x2A00;
	[smem:$0x7F6] =	sst s26  }
0x4b: {  	s17 =	simm.s32 $0x2A80;
	s18 =	simm.s32 $0x2B00;
	[smem:$0x7F7] =	sst s31  }
0x4c: {  	s19 =	simm.s32 $0x2B80;
	s6 =	sadd.s32 s6, s4;
	[smem:$0x7F8] =	sst s9  }
0x4d: {  	s7 =	ssub.s32 s5, s22;
	s4 =	sadd.s32 $0x80, s2;
	[smem:$0x7F9] =	sst s10  }
0x4e: {  	v0 =	vimm.s32 $0x3;
	s5 =	sadd.s32 $0x100, s2;
	s8 =	simm.s32 $0x2;
	[smem:$0x7FA] =	sst s11  }
0x4f: {  	v1 =	vimm.s32 $0x7;
	v2 =	vimm.s32 $0x0;
	v3 =	vlaneseq.u32;
	s9 =	simm.s32 $0x80;
	s10 =	simm.s32 $0x400;
	[smem:$0x7FB] =	sst s12  }
0x50: {  	vm0 =	vmmov $0x1;
	v4 =	vimm.s32 $0x1;
	v5 =	vimm.s32 $0x2;
	s11 =	simm.s32 $0xC00;
	s12 =	simm.s32 $0x1080;
	[smem:$0x7FC] =	sst s13  }
0x51: {  	v6 =	vimm.s32 $0x4;
	v7 =	vimm.s32 $0x5;
	v8 =	vimm.s32 $0x6;
	s13 =	simm.s32 $0x2080;
	[smem:$0x7FD] =	sst s14;
	s14 =	simm.s32 $0x2900  }
0x52: {  	v9 =	vimm.s32 $0x8;
	v10 =	vimm.s32 $0x9;
	v11 =	vimm.s32 $0xA;
	s20 =	simm.s32 $0x2C00;
	s21 =	simm.s32 $0x2C80;
	s22 =	simm.s32 $0x2D00  }
0x53: {  	v12 =	vimm.s32 $0xB;
	v13 =	vimm.s32 $0xC;
	v14 =	vimm.s32 $0xD;
	s23 =	simm.s32 $0x2D80;
	s24 =	simm.s32 $0x2E00;
	s25 =	simm.s32 $0x2E80  }
0x54: {  	v15 =	vimm.s32 $0xE;
	v16 =	vimm.s32 $0xF;
	v3 =	vmul.u32 $0x8, v3;
	s26 =	simm.s32 $0x2F00;
	s6 =	sadd.s32 $0x800, s6;
	s7 =	smax.u32 s7, $0x1  }
.LBB2_1:
0x55: {  	s31 =	rddreg [dreg:$0x4]  }
0x56: {  	[tilespmem:s3], [sflag:$0x2] =	stream.linear.gather [hbm4b:s31+s3], $0x20, $0x38;
	[tilespmem:$0x3080] =	vst v63  }
0x57: {  	_ =	swait.ge [sflag:s8], $0x20  }
0x58: {  	[sflag:s8] =	ssyncset.done $0x0  }
0x59: {  	[sflag:s8] =	ssyncadd.s32 $0xFFFFFFE0  }
0x5a: {  	v17 =	vld [tilespmem:$0x0];
	_ =	sdelay $0x4  }
0x5b: {  	v18 =	vshrl.u32 v17, $0x3  }
0x5c: {  	v18 =	vmul.u32 $0x18, v18  }
0x5d: {  	v17 =	vand.u32 $0x7, v17  }
0x5e: {  	v17 =	vor.u32 v17, v18  }
0x5f: {  	v18 =	vperm.xlane v17, v2;
	_ =	sdelay $0x1  }
0x60: {  	v19 =	vperm.xlane v17, v4;
	v18 =	vadd.s32 v3, v18;
	_ =	sdelay $0x1  }
0x61: {  	v20 =	vperm.xlane v17, v5;
	v19 =	vadd.s32 v3, v19;
	_ =	sdelay $0x1  }
0x62: {  	v21 =	vperm.xlane v17, v0;
	v20 =	vadd.s32 v3, v20  }
0x63: {  	[tilespmem:s9], [sflag:$0x1] =	stream.indirect_vreg.gather [hbm4b:s2+s3], $0x80, v18, vm0, $0xb8;
	[tilespmem:$0x3080] =	vst v63  }
0x64: {  	s31 =	rddreg [dreg:$0x5];
	v44 =	vperm.xlane v17, v6;
	v18 =	vadd.s32 v3, v21  }
0x65: {  	[tilespmem:s31], [sflag:$0x1] =	stream.indirect_vreg.gather [hbm4b:s2+s3], $0x80, v19, vm0, $0xb8;
	[tilespmem:$0x3080] =	vst v63  }
0x66: {  	s0 =	rddreg [dreg:$0x6];
	v45 =	vperm.xlane v17, v7;
	v19 =	vadd.s32 v3, v44  }
0x67: {  	[tilespmem:s0], [sflag:$0x1] =	stream.indirect_vreg.gather [hbm4b:s2+s3], $0x80, v20, vm0, $0xb8;
	[tilespmem:$0x3080] =	vst v63  }
0x68: {  	v47 =	vperm.xlane v17, v8;
	v46 =	vadd.s32 v3, v45;
	s31 =	rddreg [dreg:$0x7]  }
0x69: {  	[tilespmem:s31], [sflag:$0x1] =	stream.indirect_vreg.gather [hbm4b:s2+s3], $0x80, v18, vm0, $0xb8;
	[tilespmem:$0x3080] =	vst v63  }
0x6a: {  	v48 =	vperm.xlane v17, v1;
	s0 =	rddreg [dreg:$0x8];
	v18 =	vadd.s32 v3, v47  }
0x6b: {  	[tilespmem:s0], [sflag:$0x1] =	stream.indirect_vreg.gather [hbm4b:s2+s3], $0x80, v19, vm0, $0xb8;
	[tilespmem:$0x3080] =	vst v63  }
0x6c: {  	v49 =	vperm.xlane v17, v9;
	s31 =	rddreg [dreg:$0x9];
	v19 =	vadd.s32 v3, v48  }
0x6d: {  	[tilespmem:s31], [sflag:$0x1] =	stream.indirect_vreg.gather [hbm4b:s2+s3], $0x80, v46, vm0, $0xb8;
	[tilespmem:$0x3080] =	vst v63  }
0x6e: {  	v51 =	vperm.xlane v17, v10;
	v50 =	vadd.s32 v3, v49;
	s0 =	rddreg [dreg:$0xa]  }
0x6f: {  	[tilespmem:s0], [sflag:$0x1] =	stream.indirect_vreg.gather [hbm4b:s2+s3], $0x80, v18, vm0, $0xb8;
	[tilespmem:$0x3080] =	vst v63  }
0x70: {  	v52 =	vperm.xlane v17, v11;
	v18 =	vadd.s32 v3, v51  }
0x71: {  	[tilespmem:s10], [sflag:$0x1] =	stream.indirect_vreg.gather [hbm4b:s2+s3], $0x80, v19, vm0, $0xb8;
	[tilespmem:$0x3080] =	vst v63  }
0x72: {  	v53 =	vperm.xlane v17, v12;
	s0 =	rddreg [dreg:$0xb];
	v19 =	vadd.s32 v3, v52  }
0x73: {  	[tilespmem:s0], [sflag:$0x1] =	stream.indirect_vreg.gather [hbm4b:s2+s3], $0x80, v50, vm0, $0xb8;
	[tilespmem:$0x3080] =	vst v63  }
0x74: {  	v55 =	vperm.xlane v17, v13;
	v54 =	vadd.s32 v3, v53;
	s31 =	rddreg [dreg:$0xc]  }
0x75: {  	[tilespmem:s31], [sflag:$0x1] =	stream.indirect_vreg.gather [hbm4b:s2+s3], $0x80, v18, vm0, $0xb8;
	[tilespmem:$0x3080] =	vst v63  }
0x76: {  	v56 =	vperm.xlane v17, v14;
	s0 =	rddreg [dreg:$0xd];
	v18 =	vadd.s32 v3, v55  }
0x77: {  	[tilespmem:s0], [sflag:$0x1] =	stream.indirect_vreg.gather [hbm4b:s2+s3], $0x80, v19, vm0, $0xb8;
	[tilespmem:$0x3080] =	vst v63  }
0x78: {  	v57 =	vperm.xlane v17, v15;
	s31 =	rddreg [dreg:$0xe];
	v19 =	vadd.s32 v3, v56  }
0x79: {  	[tilespmem:s31], [sflag:$0x1] =	stream.indirect_vreg.gather [hbm4b:s2+s3], $0x80, v54, vm0, $0xb8;
	[tilespmem:$0x3080] =	vst v63  }
0x7a: {  	v17 =	vperm.xlane v17, v16;
	v58 =	vadd.s32 v3, v57;
	s0 =	rddreg [dreg:$0xf]  }
0x7b: {  	[tilespmem:s0], [sflag:$0x1] =	stream.indirect_vreg.gather [hbm4b:s2+s3], $0x80, v18, vm0, $0xb8;
	[tilespmem:$0x3080] =	vst v63  }
0x7c: {  	v17 =	vadd.s32 v3, v17;
	s31 =	rddreg [dreg:$0x10]  }
0x7d: {  	[tilespmem:s31], [sflag:$0x1] =	stream.indirect_vreg.gather [hbm4b:s2+s3], $0x80, v19, vm0, $0xb8;
	[tilespmem:$0x3080] =	vst v63  }
0x7e: {  	s0 =	rddreg [dreg:$0x11]  }
0x7f: {  	[tilespmem:s0], [sflag:$0x1] =	stream.indirect_vreg.gather [hbm4b:s2+s3], $0x80, v58, vm0, $0xb8;
	[tilespmem:$0x3080] =	vst v63  }
0x80: {  	s31 =	rddreg [dreg:$0x12]  }
0x81: {  	[tilespmem:s31], [sflag:$0x1] =	stream.indirect_vreg.gather [hbm4b:s2+s3], $0x80, v17, vm0, $0xb8;
	[tilespmem:$0x3080] =	vst v63  }
0x82: {  	v17 =	vld [tilespmem:$0x10];
	_ =	sdelay $0x4  }
0x83: {  	v18 =	vshrl.u32 v17, $0x3  }
0x84: {  	v18 =	vmul.u32 $0x18, v18  }
0x85: {  	v17 =	vand.u32 $0x7, v17  }
0x86: {  	v17 =	vor.u32 v17, v18  }
0x87: {  	v18 =	vperm.xlane v17, v2;
	_ =	sdelay $0x1  }
0x88: {  	v19 =	vperm.xlane v17, v4;
	v18 =	vadd.s32 v3, v18;
	_ =	sdelay $0x1  }
0x89: {  	v59 =	vperm.xlane v17, v5;
	v19 =	vadd.s32 v3, v19;
	_ =	sdelay $0x1  }
0x8a: {  	s0 =	rddreg [dreg:$0x13];
	v60 =	vperm.xlane v17, v0;
	v20 =	vadd.s32 v3, v59  }
0x8b: {  	[tilespmem:s0], [sflag:$0x1] =	stream.indirect_vreg.gather [hbm4b:s2+s3], $0x80, v18, vm0, $0xb8;
	[tilespmem:$0x3080] =	vst v63  }
0x8c: {  	s31 =	rddreg [dreg:$0x14];
	v61 =	vperm.xlane v17, v6;
	v18 =	vadd.s32 v3, v60  }
0x8d: {  	[tilespmem:s31], [sflag:$0x1] =	stream.indirect_vreg.gather [hbm4b:s2+s3], $0x80, v19, vm0, $0xb8;
	[tilespmem:$0x3080] =	vst v63  }
0x8e: {  	v62 =	vperm.xlane v17, v7;
	s0 =	rddreg [dreg:$0x15];
	v19 =	vadd.s32 v3, v61  }
0x8f: {  	[tilespmem:s0], [sflag:$0x1] =	stream.indirect_vreg.gather [hbm4b:s2+s3], $0x80, v20, vm0, $0xb8;
	[tilespmem:$0x3080] =	vst v63  }
0x90: {  	v24 =	vperm.xlane v17, v8;
	v63 =	vadd.s32 v3, v62;
	s31 =	rddreg [dreg:$0x16]  }
0x91: {  	[tilespmem:s31], [sflag:$0x1] =	stream.indirect_vreg.gather [hbm4b:s2+s3], $0x80, v18, vm0, $0xb8;
	[tilespmem:$0x3080] =	vst v63  }
0x92: {  	v25 =	vperm.xlane v17, v1;
	s0 =	rddreg [dreg:$0x17];
	v18 =	vadd.s32 v3, v24  }
0x93: {  	[tilespmem:s0], [sflag:$0x1] =	stream.indirect_vreg.gather [hbm4b:s2+s3], $0x80, v19, vm0, $0xb8;
	[tilespmem:$0x3080] =	vst v63  }
0x94: {  	v26 =	vperm.xlane v17, v9;
	s31 =	rddreg [dreg:$0x18];
	v19 =	vadd.s32 v3, v25  }
0x95: {  	[tilespmem:s31], [sflag:$0x1] =	stream.indirect_vreg.gather [hbm4b:s2+s3], $0x80, v63, vm0, $0xb8;
	[tilespmem:$0x3080] =	vst v63  }
0x96: {  	v28 =	vperm.xlane v17, v10;
	v27 =	vadd.s32 v3, v26;
	s0 =	rddreg [dreg:$0x19]  }
0x97: {  	[tilespmem:s0], [sflag:$0x1] =	stream.indirect_vreg.gather [hbm4b:s2+s3], $0x80, v18, vm0, $0xb8;
	[tilespmem:$0x3080] =	vst v63  }
0x98: {  	v29 =	vperm.xlane v17, v11;
	s31 =	rddreg [dreg:$0x1b];
	v18 =	vadd.s32 v3, v28  }
0x99: {  	[tilespmem:s11], [sflag:$0x1] =	stream.indirect_vreg.gather [hbm4b:s2+s3], $0x80, v19, vm0, $0xb8;
	[tilespmem:$0x3080] =	vst v63  }
0x9a: {  	v30 =	vperm.xlane v17, v12;
	s0 =	rddreg [dreg:$0x1a];
	v19 =	vadd.s32 v3, v29  }
0x9b: {  	[tilespmem:s0], [sflag:$0x1] =	stream.indirect_vreg.gather [hbm4b:s2+s3], $0x80, v27, vm0, $0xb8;
	[tilespmem:$0x3080] =	vst v63  }
0x9c: {  	v32 =	vperm.xlane v17, v13;
	v31 =	vadd.s32 v3, v30;
	s0 =	rddreg [dreg:$0x1c]  }
0x9d: {  	[tilespmem:s31], [sflag:$0x1] =	stream.indirect_vreg.gather [hbm4b:s2+s3], $0x80, v18, vm0, $0xb8;
	[tilespmem:$0x3080] =	vst v63  }
0x9e: {  	v33 =	vperm.xlane v17, v14;
	s31 =	rddreg [dreg:$0x1d];
	v18 =	vadd.s32 v3, v32  }
0x9f: {  	[tilespmem:s0], [sflag:$0x1] =	stream.indirect_vreg.gather [hbm4b:s2+s3], $0x80, v19, vm0, $0xb8;
	[tilespmem:$0x3080] =	vst v63  }
0xa0: {  	v34 =	vperm.xlane v17, v15;
	s0 =	rddreg [dreg:$0x1e];
	v19 =	vadd.s32 v3, v33  }
0xa1: {  	[tilespmem:s31], [sflag:$0x1] =	stream.indirect_vreg.gather [hbm4b:s2+s3], $0x80, v31, vm0, $0xb8;
	[tilespmem:$0x3080] =	vst v63  }
0xa2: {  	v17 =	vperm.xlane v17, v16;
	v35 =	vadd.s32 v3, v34;
	s31 =	rddreg [dreg:$0x1f]  }
0xa3: {  	[tilespmem:s0], [sflag:$0x1] =	stream.indirect_vreg.gather [hbm4b:s2+s3], $0x80, v18, vm0, $0xb8;
	[tilespmem:$0x3080] =	vst v63  }
0xa4: {  	v17 =	vadd.s32 v3, v17;
	s0 =	sld [smem:$0x7CD]  }
0xa5: {  	[tilespmem:s31], [sflag:$0x1] =	stream.indirect_vreg.gather [hbm4b:s2+s3], $0x80, v19, vm0, $0xb8;
	[tilespmem:$0x3080] =	vst v63  }
0xa6: {  	s31 =	sld [smem:$0x7CE]  }
0xa7: {  	[tilespmem:s0], [sflag:$0x1] =	stream.indirect_vreg.gather [hbm4b:s2+s3], $0x80, v35, vm0, $0xb8;
	[tilespmem:$0x3080] =	vst v63  }
0xa8: {  	_ = 	snop  }
0xa9: {  	[tilespmem:s31], [sflag:$0x1] =	stream.indirect_vreg.gather [hbm4b:s2+s3], $0x80, v17, vm0, $0xb8;
	[tilespmem:$0x3080] =	vst v63  }
0xaa: {  	v17 =	vld [tilespmem:$0x0];
	_ =	sdelay $0x4  }
0xab: {  	v18 =	vshrl.u32 v17, $0x3  }
0xac: {  	v18 =	vmul.u32 $0x18, v18  }
0xad: {  	v17 =	vand.u32 $0x7, v17  }
0xae: {  	v17 =	vor.u32 v17, v18  }
0xaf: {  	v18 =	vperm.xlane v17, v2;
	_ =	sdelay $0x1  }
0xb0: {  	v19 =	vperm.xlane v17, v4;
	v18 =	vadd.s32 v3, v18;
	_ =	sdelay $0x1  }
0xb1: {  	v36 =	vperm.xlane v17, v5;
	v19 =	vadd.s32 v3, v19;
	_ =	sdelay $0x1  }
0xb2: {  	s0 =	sld [smem:$0x7CF];
	v37 =	vperm.xlane v17, v0;
	v20 =	vadd.s32 v3, v36  }
0xb3: {  	[tilespmem:s12], [sflag:$0x1] =	stream.indirect_vreg.gather [hbm4b:s4+s3], $0x80, v18, vm0, $0xb8;
	[tilespmem:$0x3080] =	vst v63  }
0xb4: {  	s31 =	sld [smem:$0x7D0];
	v38 =	vperm.xlane v17, v6;
	v18 =	vadd.s32 v3, v37  }
0xb5: {  	[tilespmem:s0], [sflag:$0x1] =	stream.indirect_vreg.gather [hbm4b:s4+s3], $0x80, v19, vm0, $0xb8;
	[tilespmem:$0x3080] =	vst v63  }
0xb6: {  	v39 =	vperm.xlane v17, v7;
	s0 =	sld [smem:$0x7D1];
	v19 =	vadd.s32 v3, v38  }
0xb7: {  	[tilespmem:s31], [sflag:$0x1] =	stream.indirect_vreg.gather [hbm4b:s4+s3], $0x80, v20, vm0, $0xb8;
	[tilespmem:$0x3080] =	vst v63  }
0xb8: {  	v41 =	vperm.xlane v17, v8;
	v40 =	vadd.s32 v3, v39;
	s31 =	sld [smem:$0x7D2]  }
0xb9: {  	[tilespmem:s0], [sflag:$0x1] =	stream.indirect_vreg.gather [hbm4b:s4+s3], $0x80, v18, vm0, $0xb8;
	[tilespmem:$0x3080] =	vst v63  }
0xba: {  	v42 =	vperm.xlane v17, v1;
	s0 =	sld [smem:$0x7D3];
	v18 =	vadd.s32 v3, v41  }
0xbb: {  	[tilespmem:s31], [sflag:$0x1] =	stream.indirect_vreg.gather [hbm4b:s4+s3], $0x80, v19, vm0, $0xb8;
	[tilespmem:$0x3080] =	vst v63  }
0xbc: {  	v43 =	vperm.xlane v17, v9;
	s31 =	sld [smem:$0x7D4];
	v19 =	vadd.s32 v3, v42  }
0xbd: {  	[tilespmem:s0], [sflag:$0x1] =	stream.indirect_vreg.gather [hbm4b:s4+s3], $0x80, v40, vm0, $0xb8;
	[tilespmem:$0x3080] =	vst v63  }
0xbe: {  	v45 =	vperm.xlane v17, v10;
	v44 =	vadd.s32 v3, v43;
	s0 =	sld [smem:$0x7D5]  }
0xbf: {  	[tilespmem:s31], [sflag:$0x1] =	stream.indirect_vreg.gather [hbm4b:s4+s3], $0x80, v18, vm0, $0xb8;
	[tilespmem:$0x3080] =	vst v63  }
0xc0: {  	v46 =	vperm.xlane v17, v11;
	s31 =	sld [smem:$0x7D6];
	v18 =	vadd.s32 v3, v45  }
0xc1: {  	[tilespmem:s0], [sflag:$0x1] =	stream.indirect_vreg.gather [hbm4b:s4+s3], $0x80, v19, vm0, $0xb8;
	[tilespmem:$0x3080] =	vst v63  }
0xc2: {  	v47 =	vperm.xlane v17, v12;
	s0 =	sld [smem:$0x7D7];
	v19 =	vadd.s32 v3, v46  }
0xc3: {  	[tilespmem:s31], [sflag:$0x1] =	stream.indirect_vreg.gather [hbm4b:s4+s3], $0x80, v44, vm0, $0xb8;
	[tilespmem:$0x3080] =	vst v63  }
0xc4: {  	v49 =	vperm.xlane v17, v13;
	v48 =	vadd.s32 v3, v47;
	s31 =	sld [smem:$0x7D8]  }
0xc5: {  	[tilespmem:s0], [sflag:$0x1] =	stream.indirect_vreg.gather [hbm4b:s4+s3], $0x80, v18, vm0, $0xb8;
	[tilespmem:$0x3080] =	vst v63  }
0xc6: {  	v50 =	vperm.xlane v17, v14;
	s0 =	sld [smem:$0x7D9];
	v18 =	vadd.s32 v3, v49  }
0xc7: {  	[tilespmem:s31], [sflag:$0x1] =	stream.indirect_vreg.gather [hbm4b:s4+s3], $0x80, v19, vm0, $0xb8;
	[tilespmem:$0x3080] =	vst v63  }
0xc8: {  	v51 =	vperm.xlane v17, v15;
	s31 =	sld [smem:$0x7DA];
	v19 =	vadd.s32 v3, v50  }
0xc9: {  	[tilespmem:s0], [sflag:$0x1] =	stream.indirect_vreg.gather [hbm4b:s4+s3], $0x80, v48, vm0, $0xb8;
	[tilespmem:$0x3080] =	vst v63  }
0xca: {  	v17 =	vperm.xlane v17, v16;
	v52 =	vadd.s32 v3, v51;
	s0 =	sld [smem:$0x7DB]  }
0xcb: {  	[tilespmem:s31], [sflag:$0x1] =	stream.indirect_vreg.gather [hbm4b:s4+s3], $0x80, v18, vm0, $0xb8;
	[tilespmem:$0x3080] =	vst v63  }
0xcc: {  	v17 =	vadd.s32 v3, v17;
	s31 =	sld [smem:$0x7DC]  }
0xcd: {  	[tilespmem:s0], [sflag:$0x1] =	stream.indirect_vreg.gather [hbm4b:s4+s3], $0x80, v19, vm0, $0xb8;
	[tilespmem:$0x3080] =	vst v63  }
0xce: {  	s0 =	sld [smem:$0x7DD]  }
0xcf: {  	[tilespmem:s31], [sflag:$0x1] =	stream.indirect_vreg.gather [hbm4b:s4+s3], $0x80, v52, vm0, $0xb8;
	[tilespmem:$0x3080] =	vst v63  }
0xd0: {  	_ = 	snop  }
0xd1: {  	[tilespmem:s0], [sflag:$0x1] =	stream.indirect_vreg.gather [hbm4b:s4+s3], $0x80, v17, vm0, $0xb8;
	[tilespmem:$0x3080] =	vst v63  }
0xd2: {  	v17 =	vld [tilespmem:$0x10];
	_ =	sdelay $0x4  }
0xd3: {  	v18 =	vshrl.u32 v17, $0x3  }
0xd4: {  	v18 =	vmul.u32 $0x18, v18  }
0xd5: {  	v17 =	vand.u32 $0x7, v17  }
0xd6: {  	v17 =	vor.u32 v17, v18  }
0xd7: {  	v18 =	vperm.xlane v17, v2;
	_ =	sdelay $0x1  }
0xd8: {  	v19 =	vperm.xlane v17, v4;
	v18 =	vadd.s32 v3, v18;
	_ =	sdelay $0x1  }
0xd9: {  	s0 =	sld [smem:$0x7DE];
	v53 =	vperm.xlane v17, v5;
	v19 =	vadd.s32 v3, v19;
	_ =	sdelay $0x1  }
0xda: {  	s31 =	sld [smem:$0x7DF];
	v54 =	vperm.xlane v17, v0;
	v20 =	vadd.s32 v3, v53  }
0xdb: {  	[tilespmem:s0], [sflag:$0x1] =	stream.indirect_vreg.gather [hbm4b:s4+s3], $0x80, v18, vm0, $0xb8;
	[tilespmem:$0x3080] =	vst v63  }
0xdc: {  	v55 =	vperm.xlane v17, v6;
	s0 =	sld [smem:$0x7E0];
	v18 =	vadd.s32 v3, v54  }
0xdd: {  	[tilespmem:s31], [sflag:$0x1] =	stream.indirect_vreg.gather [hbm4b:s4+s3], $0x80, v19, vm0, $0xb8;
	[tilespmem:$0x3080] =	vst v63  }
0xde: {  	v56 =	vperm.xlane v17, v7;
	s31 =	sld [smem:$0x7E1];
	v19 =	vadd.s32 v3, v55  }
0xdf: {  	[tilespmem:s0], [sflag:$0x1] =	stream.indirect_vreg.gather [hbm4b:s4+s3], $0x80, v20, vm0, $0xb8;
	[tilespmem:$0x3080] =	vst v63  }
0xe0: {  	v58 =	vperm.xlane v17, v8;
	v57 =	vadd.s32 v3, v56;
	s0 =	sld [smem:$0x7E2]  }
0xe1: {  	[tilespmem:s31], [sflag:$0x1] =	stream.indirect_vreg.gather [hbm4b:s4+s3], $0x80, v18, vm0, $0xb8;
	[tilespmem:$0x3080] =	vst v63  }
0xe2: {  	v59 =	vperm.xlane v17, v1;
	s31 =	sld [smem:$0x7E3];
	v18 =	vadd.s32 v3, v58  }
0xe3: {  	[tilespmem:s0], [sflag:$0x1] =	stream.indirect_vreg.gather [hbm4b:s4+s3], $0x80, v19, vm0, $0xb8;
	[tilespmem:$0x3080] =	vst v63  }
0xe4: {  	v60 =	vperm.xlane v17, v9;
	s0 =	sld [smem:$0x7E4];
	v19 =	vadd.s32 v3, v59  }
0xe5: {  	[tilespmem:s31], [sflag:$0x1] =	stream.indirect_vreg.gather [hbm4b:s4+s3], $0x80, v57, vm0, $0xb8;
	[tilespmem:$0x3080] =	vst v63  }
0xe6: {  	v62 =	vperm.xlane v17, v10;
	v61 =	vadd.s32 v3, v60;
	s31 =	sld [smem:$0x7E5]  }
0xe7: {  	[tilespmem:s0], [sflag:$0x1] =	stream.indirect_vreg.gather [hbm4b:s4+s3], $0x80, v18, vm0, $0xb8;
	[tilespmem:$0x3080] =	vst v63  }
0xe8: {  	v63 =	vperm.xlane v17, v11;
	s0 =	sld [smem:$0x7E6];
	v18 =	vadd.s32 v3, v62  }
0xe9: {  	[tilespmem:s31], [sflag:$0x1] =	stream.indirect_vreg.gather [hbm4b:s4+s3], $0x80, v19, vm0, $0xb8;
	[tilespmem:$0x3080] =	vst v63  }
0xea: {  	v24 =	vperm.xlane v17, v12;
	s31 =	sld [smem:$0x7E7];
	v19 =	vadd.s32 v3, v63  }
0xeb: {  	[tilespmem:s0], [sflag:$0x1] =	stream.indirect_vreg.gather [hbm4b:s4+s3], $0x80, v61, vm0, $0xb8;
	[tilespmem:$0x3080] =	vst v63  }
0xec: {  	v26 =	vperm.xlane v17, v13;
	v25 =	vadd.s32 v3, v24;
	s0 =	sld [smem:$0x7E8]  }
0xed: {  	[tilespmem:s31], [sflag:$0x1] =	stream.indirect_vreg.gather [hbm4b:s4+s3], $0x80, v18, vm0, $0xb8;
	[tilespmem:$0x3080] =	vst v63  }
0xee: {  	v27 =	vperm.xlane v17, v14;
	s31 =	sld [smem:$0x7E9];
	v18 =	vadd.s32 v3, v26  }
0xef: {  	[tilespmem:s0], [sflag:$0x1] =	stream.indirect_vreg.gather [hbm4b:s4+s3], $0x80, v19, vm0, $0xb8;
	[tilespmem:$0x3080] =	vst v63  }
0xf0: {  	v28 =	vperm.xlane v17, v15;
	s0 =	sld [smem:$0x7EA];
	v19 =	vadd.s32 v3, v27  }
0xf1: {  	[tilespmem:s31], [sflag:$0x1] =	stream.indirect_vreg.gather [hbm4b:s4+s3], $0x80, v25, vm0, $0xb8;
	[tilespmem:$0x3080] =	vst v63  }
0xf2: {  	v17 =	vperm.xlane v17, v16;
	v29 =	vadd.s32 v3, v28;
	s31 =	sld [smem:$0x7EB]  }
0xf3: {  	[tilespmem:s0], [sflag:$0x1] =	stream.indirect_vreg.gather [hbm4b:s4+s3], $0x80, v18, vm0, $0xb8;
	[tilespmem:$0x3080] =	vst v63  }
0xf4: {  	v17 =	vadd.s32 v3, v17;
	s0 =	sld [smem:$0x7EC]  }
0xf5: {  	[tilespmem:s31], [sflag:$0x1] =	stream.indirect_vreg.gather [hbm4b:s4+s3], $0x80, v19, vm0, $0xb8;
	[tilespmem:$0x3080] =	vst v63  }
0xf6: {  	s31 =	sld [smem:$0x7ED]  }
0xf7: {  	[tilespmem:s0], [sflag:$0x1] =	stream.indirect_vreg.gather [hbm4b:s4+s3], $0x80, v29, vm0, $0xb8;
	[tilespmem:$0x3080] =	vst v63  }
0xf8: {  	_ = 	snop  }
0xf9: {  	[tilespmem:s31], [sflag:$0x1] =	stream.indirect_vreg.gather [hbm4b:s4+s3], $0x80, v17, vm0, $0xb8;
	[tilespmem:$0x3080] =	vst v63  }
0xfa: {  	v17 =	vld [tilespmem:$0x0];
	_ =	sdelay $0x4  }
0xfb: {  	v18 =	vshrl.u32 v17, $0x3  }
0xfc: {  	v18 =	vmul.u32 $0x18, v18  }
0xfd: {  	v17 =	vand.u32 $0x7, v17  }
0xfe: {  	v17 =	vor.u32 v17, v18  }
0xff: {  	v18 =	vperm.xlane v17, v2;
	_ =	sdelay $0x1  }
0x100: {  	v19 =	vperm.xlane v17, v4;
	v18 =	vadd.s32 v3, v18;
	_ =	sdelay $0x1  }
0x101: {  	v30 =	vperm.xlane v17, v5;
	v19 =	vadd.s32 v3, v19;
	_ =	sdelay $0x1  }
0x102: {  	s0 =	sld [smem:$0x7EE];
	v31 =	vperm.xlane v17, v0;
	v20 =	vadd.s32 v3, v30  }
0x103: {  	[tilespmem:s13], [sflag:$0x1] =	stream.indirect_vreg.gather [hbm4b:s5+s3], $0x80, v18, vm0, $0xb8;
	[tilespmem:$0x3080] =	vst v63  }
0x104: {  	s31 =	sld [smem:$0x7EF];
	v32 =	vperm.xlane v17, v6;
	v18 =	vadd.s32 v3, v31  }
0x105: {  	[tilespmem:s0], [sflag:$0x1] =	stream.indirect_vreg.gather [hbm4b:s5+s3], $0x80, v19, vm0, $0xb8;
	[tilespmem:$0x3080] =	vst v63  }
0x106: {  	v33 =	vperm.xlane v17, v7;
	s0 =	sld [smem:$0x7F0];
	v19 =	vadd.s32 v3, v32  }
0x107: {  	[tilespmem:s31], [sflag:$0x1] =	stream.indirect_vreg.gather [hbm4b:s5+s3], $0x80, v20, vm0, $0xb8;
	[tilespmem:$0x3080] =	vst v63  }
0x108: {  	v35 =	vperm.xlane v17, v8;
	v34 =	vadd.s32 v3, v33;
	s31 =	sld [smem:$0x7F1]  }
0x109: {  	[tilespmem:s0], [sflag:$0x1] =	stream.indirect_vreg.gather [hbm4b:s5+s3], $0x80, v18, vm0, $0xb8;
	[tilespmem:$0x3080] =	vst v63  }
0x10a: {  	v36 =	vperm.xlane v17, v1;
	s0 =	sld [smem:$0x7F2];
	v18 =	vadd.s32 v3, v35  }
0x10b: {  	[tilespmem:s31], [sflag:$0x1] =	stream.indirect_vreg.gather [hbm4b:s5+s3], $0x80, v19, vm0, $0xb8;
	[tilespmem:$0x3080] =	vst v63  }
0x10c: {  	v37 =	vperm.xlane v17, v9;
	s31 =	sld [smem:$0x7F3];
	v19 =	vadd.s32 v3, v36  }
0x10d: {  	[tilespmem:s0], [sflag:$0x1] =	stream.indirect_vreg.gather [hbm4b:s5+s3], $0x80, v34, vm0, $0xb8;
	[tilespmem:$0x3080] =	vst v63  }
0x10e: {  	v39 =	vperm.xlane v17, v10;
	v38 =	vadd.s32 v3, v37;
	s0 =	sld [smem:$0x7F4]  }
0x10f: {  	[tilespmem:s31], [sflag:$0x1] =	stream.indirect_vreg.gather [hbm4b:s5+s3], $0x80, v18, vm0, $0xb8;
	[tilespmem:$0x3080] =	vst v63  }
0x110: {  	v40 =	vperm.xlane v17, v11;
	s31 =	sld [smem:$0x7F5];
	v18 =	vadd.s32 v3, v39  }
0x111: {  	[tilespmem:s0], [sflag:$0x1] =	stream.indirect_vreg.gather [hbm4b:s5+s3], $0x80, v19, vm0, $0xb8;
	[tilespmem:$0x3080] =	vst v63  }
0x112: {  	v41 =	vperm.xlane v17, v12;
	s0 =	sld [smem:$0x7F6];
	v19 =	vadd.s32 v3, v40  }
0x113: {  	[tilespmem:s31], [sflag:$0x1] =	stream.indirect_vreg.gather [hbm4b:s5+s3], $0x80, v38, vm0, $0xb8;
	[tilespmem:$0x3080] =	vst v63  }
0x114: {  	v43 =	vperm.xlane v17, v13;
	v42 =	vadd.s32 v3, v41;
	s31 =	sld [smem:$0x7F7]  }
0x115: {  	[tilespmem:s0], [sflag:$0x1] =	stream.indirect_vreg.gather [hbm4b:s5+s3], $0x80, v18, vm0, $0xb8;
	[tilespmem:$0x3080] =	vst v63  }
0x116: {  	v44 =	vperm.xlane v17, v14;
	s0 =	sld [smem:$0x7F8];
	v18 =	vadd.s32 v3, v43  }
0x117: {  	[tilespmem:s31], [sflag:$0x1] =	stream.indirect_vreg.gather [hbm4b:s5+s3], $0x80, v19, vm0, $0xb8;
	[tilespmem:$0x3080] =	vst v63  }
0x118: {  	v45 =	vperm.xlane v17, v15;
	s31 =	sld [smem:$0x7F9];
	v19 =	vadd.s32 v3, v44  }
0x119: {  	[tilespmem:s0], [sflag:$0x1] =	stream.indirect_vreg.gather [hbm4b:s5+s3], $0x80, v42, vm0, $0xb8;
	[tilespmem:$0x3080] =	vst v63  }
0x11a: {  	v17 =	vperm.xlane v17, v16;
	v46 =	vadd.s32 v3, v45;
	s0 =	sld [smem:$0x7FA]  }
0x11b: {  	[tilespmem:s31], [sflag:$0x1] =	stream.indirect_vreg.gather [hbm4b:s5+s3], $0x80, v18, vm0, $0xb8;
	[tilespmem:$0x3080] =	vst v63  }
0x11c: {  	v17 =	vadd.s32 v3, v17;
	s31 =	sld [smem:$0x7FB]  }
0x11d: {  	[tilespmem:s0], [sflag:$0x1] =	stream.indirect_vreg.gather [hbm4b:s5+s3], $0x80, v19, vm0, $0xb8;
	[tilespmem:$0x3080] =	vst v63  }
0x11e: {  	s0 =	sld [smem:$0x7FC]  }
0x11f: {  	[tilespmem:s31], [sflag:$0x1] =	stream.indirect_vreg.gather [hbm4b:s5+s3], $0x80, v46, vm0, $0xb8;
	[tilespmem:$0x3080] =	vst v63  }
0x120: {  	_ = 	snop  }
0x121: {  	[tilespmem:s0], [sflag:$0x1] =	stream.indirect_vreg.gather [hbm4b:s5+s3], $0x80, v17, vm0, $0xb8;
	[tilespmem:$0x3080] =	vst v63  }
0x122: {  	v17 =	vld [tilespmem:$0x10];
	_ =	sdelay $0x4  }
0x123: {  	v18 =	vshrl.u32 v17, $0x3  }
0x124: {  	v18 =	vmul.u32 $0x18, v18  }
0x125: {  	v17 =	vand.u32 $0x7, v17  }
0x126: {  	v17 =	vor.u32 v17, v18  }
0x127: {  	v18 =	vperm.xlane v17, v2;
	_ =	sdelay $0x1  }
0x128: {  	v19 =	vperm.xlane v17, v4;
	v18 =	vadd.s32 v3, v18;
	_ =	sdelay $0x1  }
0x129: {  	s31 =	sld [smem:$0x7FD];
	v47 =	vperm.xlane v17, v5;
	v19 =	vadd.s32 v3, v19;
	_ =	sdelay $0x1  }
0x12a: {  	v48 =	vperm.xlane v17, v0;
	v20 =	vadd.s32 v3, v47  }
0x12b: {  	[tilespmem:s31], [sflag:$0x1] =	stream.indirect_vreg.gather [hbm4b:s5+s3], $0x80, v18, vm0, $0xb8;
	[tilespmem:$0x3080] =	vst v63  }
0x12c: {  	v49 =	vperm.xlane v17, v6;
	v18 =	vadd.s32 v3, v48  }
0x12d: {  	[tilespmem:s14], [sflag:$0x1] =	stream.indirect_vreg.gather [hbm4b:s5+s3], $0x80, v19, vm0, $0xb8;
	[tilespmem:$0x3080] =	vst v63  }
0x12e: {  	v50 =	vperm.xlane v17, v7;
	v19 =	vadd.s32 v3, v49  }
0x12f: {  	[tilespmem:s15], [sflag:$0x1] =	stream.indirect_vreg.gather [hbm4b:s5+s3], $0x80, v20, vm0, $0xb8;
	[tilespmem:$0x3080] =	vst v63  }
0x130: {  	v52 =	vperm.xlane v17, v8;
	v51 =	vadd.s32 v3, v50  }
0x131: {  	[tilespmem:s16], [sflag:$0x1] =	stream.indirect_vreg.gather [hbm4b:s5+s3], $0x80, v18, vm0, $0xb8;
	[tilespmem:$0x3080] =	vst v63  }
0x132: {  	v53 =	vperm.xlane v17, v1;
	v18 =	vadd.s32 v3, v52  }
0x133: {  	[tilespmem:s17], [sflag:$0x1] =	stream.indirect_vreg.gather [hbm4b:s5+s3], $0x80, v19, vm0, $0xb8;
	[tilespmem:$0x3080] =	vst v63  }
0x134: {  	v54 =	vperm.xlane v17, v9;
	v19 =	vadd.s32 v3, v53  }
0x135: {  	[tilespmem:s18], [sflag:$0x1] =	stream.indirect_vreg.gather [hbm4b:s5+s3], $0x80, v51, vm0, $0xb8;
	[tilespmem:$0x3080] =	vst v63  }
0x136: {  	v56 =	vperm.xlane v17, v10;
	v55 =	vadd.s32 v3, v54  }
0x137: {  	[tilespmem:s19], [sflag:$0x1] =	stream.indirect_vreg.gather [hbm4b:s5+s3], $0x80, v18, vm0, $0xb8;
	[tilespmem:$0x3080] =	vst v63  }
0x138: {  	v57 =	vperm.xlane v17, v11;
	v18 =	vadd.s32 v3, v56  }
0x139: {  	[tilespmem:s20], [sflag:$0x1] =	stream.indirect_vreg.gather [hbm4b:s5+s3], $0x80, v19, vm0, $0xb8;
	[tilespmem:$0x3080] =	vst v63  }
0x13a: {  	v58 =	vperm.xlane v17, v12;
	v19 =	vadd.s32 v3, v57  }
0x13b: {  	[tilespmem:s21], [sflag:$0x1] =	stream.indirect_vreg.gather [hbm4b:s5+s3], $0x80, v55, vm0, $0xb8;
	[tilespmem:$0x3080] =	vst v63  }
0x13c: {  	v60 =	vperm.xlane v17, v13;
	v59 =	vadd.s32 v3, v58  }
0x13d: {  	[tilespmem:s22], [sflag:$0x1] =	stream.indirect_vreg.gather [hbm4b:s5+s3], $0x80, v18, vm0, $0xb8;
	[tilespmem:$0x3080] =	vst v63  }
0x13e: {  	v61 =	vperm.xlane v17, v14;
	v18 =	vadd.s32 v3, v60  }
0x13f: {  	[tilespmem:s23], [sflag:$0x1] =	stream.indirect_vreg.gather [hbm4b:s5+s3], $0x80, v19, vm0, $0xb8;
	[tilespmem:$0x3080] =	vst v63  }
0x140: {  	v62 =	vperm.xlane v17, v15;
	v19 =	vadd.s32 v3, v61  }
0x141: {  	[tilespmem:s24], [sflag:$0x1] =	stream.indirect_vreg.gather [hbm4b:s5+s3], $0x80, v59, vm0, $0xb8;
	[tilespmem:$0x3080] =	vst v63  }
0x142: {  	v17 =	vperm.xlane v17, v16;
	v63 =	vadd.s32 v3, v62  }
0x143: {  	[tilespmem:s25], [sflag:$0x1] =	stream.indirect_vreg.gather [hbm4b:s5+s3], $0x80, v18, vm0, $0xb8;
	[tilespmem:$0x3080] =	vst v63  }
0x144: {  	v17 =	vadd.s32 v3, v17  }
0x145: {  	[tilespmem:s26], [sflag:$0x1] =	stream.indirect_vreg.gather [hbm4b:s5+s3], $0x80, v19, vm0, $0xb8;
	[tilespmem:$0x3080] =	vst v63  }
0x146: {  	_ = 	snop  }
0x147: {  	[tilespmem:s28], [sflag:$0x1] =	stream.indirect_vreg.gather [hbm4b:s5+s3], $0x80, v63, vm0, $0xb8;
	[tilespmem:$0x3080] =	vst v63  }
0x148: {  	_ = 	snop  }
0x149: {  	[tilespmem:s29], [sflag:$0x1] =	stream.indirect_vreg.gather [hbm4b:s5+s3], $0x80, v17, vm0, $0xb8;
	[tilespmem:$0x3080] =	vst v63  }
0x14a: {  	_ =	swait.ge [sflag:s30], $0x1000  }
0x14b: {  	[sflag:s30] =	ssyncset.done $0x0  }
0x14c: {  	[sflag:s30] =	ssyncadd.s32 $0xFFFFF000  }
0x14d: {  	_ =	swait.ge [sflag:s30], $0x1000  }
0x14e: {  	[sflag:s30] =	ssyncset.done $0x0  }
0x14f: {  	[sflag:s30] =	ssyncadd.s32 $0xFFFFF000  }
0x150: {  	_ =	swait.ge [sflag:s30], $0x1000  }
0x151: {  	[sflag:s30] =	ssyncset.done $0x0  }
0x152: {  	[sflag:s30] =	ssyncadd.s32 $0xFFFFF000  }
0x153: {  	[hbm4b:s6+s10] =	stream.strided.scatter [tilespmem:s9], [sflag:$0x2], $0x1000, s11, s10, $0x38;
	[tilespmem:$0x3080] =	vst v63  }
0x154: {  	_ =	swait.ge [sflag:s8], $0x1000  }
0x155: {  	[sflag:s8] =	ssyncset.done $0x0  }
0x156: {  	s31 =	sadd.s32 $0x80, s6;
	[sflag:s8] =	ssyncadd.s32 $0xFFFFF000  }
0x157: {  	[hbm4b:s31+s10] =	stream.strided.scatter [tilespmem:s12], [sflag:$0x2], $0x1000, s11, s10, $0x38;
	[tilespmem:$0x3080] =	vst v63  }
0x158: {  	_ =	swait.ge [sflag:s8], $0x1000  }
0x159: {  	p0 =	sne.s32 s7, $0x1;
	[sflag:s8] =	ssyncset.done $0x0  }
.Ltmp0:
0x15a: {  	s31 =	sadd.s32 $0x100, s6;
	[sflag:s8] =	ssyncadd.s32 $0xFFFFF000;
	(pc) =	sbr.rel @p0 .LBB2_1-.Ltmp0, $4  }
0x15b: {  	[hbm4b:s31+s10] =	stream.strided.scatter [tilespmem:s13], [sflag:$0x2], $0x1000, s11, s10, $0x38;
	[tilespmem:$0x3080] =	vst v63  }
0x15c: {  	_ =	swait.ge [sflag:s8], $0x1000  }
0x15d: {  	[sflag:s8] =	ssyncset.done $0x0  }
0x15e: {  	s7 =	sadd.s32 $0xFFFFFFFF, s7;
	[sflag:s8] =	ssyncadd.s32 $0xFFFFF000  }
0x15f: {  	_ =	sfence.sel $0x180000  }
0x160: {  	[bflag:$0x0] =	sbarrier.arrive $0xFFFF  }
0x161: {  	_ =	strace $0x90000047  }
0x162: {  	[bflag:$0x2] =	sbarrier.arrive $0xFFFF  }
0x163: {  	p0 =	sne.s32 s1, $0x0;
	s0 =	rddreg [dreg:$0x3]  }
0x164: {  	s0 =	sadd.s32 @!p0 $0x100000, s0  }
0x165: {  	[sflag:s0] =	ssyncadd.tile.s32 @!p0 $0x1;
	_ =	shalt  }
.Lfunc_end2:
_tile_overlayer_lowered:
.L_overlay_start_2:
0x166: {  	(tag) =	ssettag $0x2  }
0x167: {  	s0 =	rddreg [dreg:$0x0];
	s2 =	stileid.u32  }
0x168: {  	s1 =	rddreg [dreg:$0x1];
	p0 =	sne.s32 s2, $0x0  }
0x169: {  	s3 =	rddreg [dreg:$0x2];
	[bflag:$0x3] =	sbarrier.arrive $0xFFFF;
	s2 =	simm.s32 @!p0 $0x1C02  }
0x16a: {  	[timem:s3], [sflag:s2] =	dma.local @!p0 [hbm:s0], s1  }
0x16b: {  	s0 =	simm.s32 @!p0 $0x2  }
0x16c: {  	_ =	swait.ge @!p0 [sflag:s0], s1  }
0x16d: {  	s1 =	ssub.s32 @!p0 $0x0, s1;
	[sflag:s0] =	ssyncset.done @!p0 $0x0  }
0x16e: {  	[sflag:s0] =	ssyncadd.s32 @!p0 s1  }
0x16f: {  	[bflag:$0x3] =	sbarrier.arrive $0xFFFF  }
0x170: {  	_ =	shalt  }

</sc_bundles>
